<compile_context>
chip_gen: v7x
topology: tpu7x:2x2x1
jax: 0.10.2.dev20260603
libtpu: 0.0.44.dev20260713+nightly
codegen_flags: <defaults>
</compile_context>

<pallas_src>
import functools

import jax
import jax.numpy as jnp
import numpy as np
from jax import lax
from jax.experimental import pallas as pl
from jax.experimental.pallas import tpu as pltpu
from jax.experimental.pallas import tpu_sc as plsc

N = 100000
E = 3200000
D = 4
DP = 8
H = 16

NC = 2
NS = 16
NW = NC * NS

N_PAD = 102400
PT = N_PAD // NS
PT2 = N_PAD // NW
EW = E // NW
EW2 = E // NS
B = 2000
NP = EW // B // 2
NP2 = EW2 // B // 2

PACK_ROWS = N_PAD // 16


def _compiler_params(layout_passes=True):
    return pltpu.CompilerParams(use_tc_tiling_on_sc=False,
                                needs_layout_passes=layout_passes)



@functools.cache
def _sc_prep_kernel():
    mesh = plsc.VectorSubcoreMesh(core_axis_name="c", subcore_axis_name="s")
    return functools.partial(
        pl.kernel,
        out_type=(
            jax.ShapeDtypeStruct((N_PAD * DP,), jnp.float32),
            jax.ShapeDtypeStruct((N_PAD * DP,), jnp.float32),
        ),
        mesh=mesh,
        scratch_types=[
            pltpu.VMEM((B,), jnp.int32),
            pltpu.VMEM((B,), jnp.int32),
            pltpu.VMEM((B,), jnp.float32),
            pltpu.VMEM((PT2,), jnp.float32),
            pltpu.VMEM((PT2, DP), jnp.float32),
            pltpu.VMEM((PT2 * DP,), jnp.float32),
            pltpu.VMEM((PT2 * DP,), jnp.float32),
            pltpu.VMEM_SHARED((N_PAD,), jnp.float32),
            pltpu.SemaphoreType.DMA,
            pltpu.SemaphoreType.DMA,
            pltpu.SemaphoreType.DMA,
            pltpu.SemaphoreType.DMA,
        ],
        compiler_params=_compiler_params(layout_passes=False),
    )(_sc_prep_body)


def _sc_prep_body(edge_hbm, x_hbm, zeros1_hbm, ones_hbm, dis_out, xs_out,
                  col0, col1, ones_v, deg_t, x_t, xs_t, dis_t, deg_sp,
                  si0, si1, ss0, ss1):
    c = lax.axis_index("c")
    s = lax.axis_index("s")
    pltpu.sync_copy(zeros1_hbm, deg_sp.at[pl.ds(s * PT, PT)])
    pltpu.sync_copy(ones_hbm, ones_v)
    plsc.subcore_barrier()
    base0 = E + s * EW2

    pltpu.async_copy(edge_hbm.at[pl.ds(base0, B)], col0, si0)
    pltpu.async_copy(edge_hbm.at[pl.ds(base0 + B, B)], col1, si1)

    def pair(g, carry):
        b0 = base0 + (2 * g) * B
        b1 = b0 + B
        pltpu.make_async_copy(edge_hbm.at[pl.ds(b0, B)], col0, si0).wait()
        s0 = pltpu.async_copy(ones_v, deg_sp.at[col0], ss0, add=True)
        pltpu.make_async_copy(edge_hbm.at[pl.ds(b1, B)], col1, si1).wait()
        s1 = pltpu.async_copy(ones_v, deg_sp.at[col1], ss1, add=True)
        s0.wait()

        @pl.when(g < NP2 - 1)
        def _():
            pltpu.async_copy(edge_hbm.at[pl.ds(b0 + 2 * B, B)], col0, si0)
        s1.wait()

        @pl.when(g < NP2 - 1)
        def _():
            pltpu.async_copy(edge_hbm.at[pl.ds(b1 + 2 * B, B)], col1, si1)
        return carry

    lax.fori_loop(0, NP2, pair, 0)
    plsc.subcore_barrier()

    wid = c * NS + s
    row_base = wid * PT2
    pltpu.sync_copy(deg_sp.at[pl.ds(row_base, PT2)], deg_t)
    pltpu.sync_copy(x_hbm.at[pl.ds(row_base, PT2)], x_t)

    lane8 = lax.iota(jnp.int32, 16) // DP
    feat = lax.iota(jnp.int32, 16) % DP

    def vec(k, carry):
        idx = lane8 + (2 * k)
        d = plsc.load_gather(deg_t, [idx]) + 1.0
        i = jnp.int32(0x5F3759DF) - lax.shift_right_logical(
            plsc.bitcast(d, jnp.int32), 1)
        y = plsc.bitcast(i, jnp.float32)
        y = y * (1.5 - 0.5 * d * y * y)
        y = y * (1.5 - 0.5 * d * y * y)
        y = y * (1.5 - 0.5 * d * y * y)
        xv = plsc.load_gather(x_t, [idx, feat])
        dis_t[pl.ds(16 * k, 16)] = y
        xs_t[pl.ds(16 * k, 16)] = y * xv
        return carry

    lax.fori_loop(0, PT2 * DP // 16, vec, 0)
    pltpu.sync_copy(dis_t, dis_out.at[pl.ds(row_base * DP, PT2 * DP)])
    pltpu.sync_copy(xs_t, xs_out.at[pl.ds(row_base * DP, PT2 * DP)])



@functools.cache
def _sc_propagate_kernel():
    mesh = plsc.VectorSubcoreMesh(core_axis_name="c", subcore_axis_name="s")
    return functools.partial(
        pl.kernel,
        out_type=jax.ShapeDtypeStruct((NC, N_PAD, DP), jnp.float32),
        mesh=mesh,
        scratch_types=[
            pltpu.VMEM((B,), jnp.int32),
            pltpu.VMEM((B,), jnp.int32),
            pltpu.VMEM((B, DP), jnp.float32),
            pltpu.VMEM((B,), jnp.int32),
            pltpu.VMEM((B,), jnp.int32),
            pltpu.VMEM((B, DP), jnp.float32),
            pltpu.VMEM_SHARED((N_PAD, DP), jnp.float32),
            pltpu.SemaphoreType.DMA,
            pltpu.SemaphoreType.DMA,
            pltpu.SemaphoreType.DMA,
            pltpu.SemaphoreType.DMA,
            pltpu.SemaphoreType.DMA,
            pltpu.SemaphoreType.DMA,
        ],
        compiler_params=_compiler_params(),
    )(_sc_propagate_body)


def _sc_propagate_body(edge_hbm, xs_hbm, zerosd_hbm, acc_out,
                       row0, col0, gat0, row1, col1, gat1, acc_sp,
                       si0, si1, sg0, sg1, ss0, ss1):
    c = lax.axis_index("c")
    s = lax.axis_index("s")
    wid = c * NS + s
    pltpu.sync_copy(zerosd_hbm, acc_sp.at[pl.ds(s * PT, PT)])
    plsc.subcore_barrier()
    base0 = wid * EW

    def idx_load(base, row_v, col_v, sem):
        pltpu.async_copy(edge_hbm.at[pl.ds(base, B)], row_v, sem)
        pltpu.async_copy(edge_hbm.at[pl.ds(E + base, B)], col_v, sem)

    def idx_wait(base, row_v, col_v, sem):
        pltpu.make_async_copy(edge_hbm.at[pl.ds(base, B)], row_v, sem).wait()
        pltpu.make_async_copy(edge_hbm.at[pl.ds(E + base, B)], col_v, sem).wait()

    idx_load(base0, row0, col0, si0)
    idx_load(base0 + B, row1, col1, si1)

    def pair(g, carry):
        b0 = base0 + (2 * g) * B
        b1 = b0 + B
        idx_wait(b0, row0, col0, si0)
        g0 = pltpu.async_copy(xs_hbm.at[row0], gat0, sg0)
        idx_wait(b1, row1, col1, si1)
        g1 = pltpu.async_copy(xs_hbm.at[row1], gat1, sg1)
        g0.wait()
        s0 = pltpu.async_copy(gat0, acc_sp.at[col0], ss0, add=True)
        g1.wait()
        s1 = pltpu.async_copy(gat1, acc_sp.at[col1], ss1, add=True)
        s0.wait()

        @pl.when(g < NP - 1)
        def _():
            idx_load(b0 + 2 * B, row0, col0, si0)
        s1.wait()

        @pl.when(g < NP - 1)
        def _():
            idx_load(b1 + 2 * B, row1, col1, si1)
        return carry

    lax.fori_loop(0, NP, pair, 0)
    plsc.subcore_barrier()
    pltpu.sync_copy(acc_sp.at[pl.ds(s * PT, PT)], acc_out.at[c, pl.ds(s * PT, PT)])



_G = 2
_RBP = PACK_ROWS // _G


def _tc_mid_body(acc_ref, xs_ref, dis_ref, a1_ref, b1_ref, a2_ref, out_ref):
    dis = dis_ref[...]
    p1 = dis * (acc_ref[0] + acc_ref[1] + xs_ref[...])
    hh = jnp.maximum(
        jnp.dot(p1, a1_ref[...], preferred_element_type=jnp.float32)
        + b1_ref[...], 0.0)
    z = jnp.dot(hh, a2_ref[...], preferred_element_type=jnp.float32)
    out_ref[...] = dis * z


def _tc_final_body(acc_ref, xs_ref, dis_ref, b2_ref, sm_ref, ss_ref, out_ref):
    gl = (dis_ref[...] * (acc_ref[0] + acc_ref[1] + xs_ref[...])
          + b2_ref[...])
    m = jnp.dot(gl, sm_ref[...], preferred_element_type=jnp.float32)
    sh = gl - m
    se = jnp.dot(jnp.exp(sh), ss_ref[...], preferred_element_type=jnp.float32)
    out_ref[...] = sh - jnp.log(se)


def _tc_mid(acc1, xs1, dis, A1, b1t, A2):
    return pl.pallas_call(
        _tc_mid_body,
        grid=(_G,),
        in_specs=[
            pl.BlockSpec((NC, _RBP, 128), lambda g: (0, g, 0)),
            pl.BlockSpec((_RBP, 128), lambda g: (g, 0)),
            pl.BlockSpec((_RBP, 128), lambda g: (g, 0)),
            pl.BlockSpec((128, 2 * 128), lambda g: (0, 0)),
            pl.BlockSpec((1, 2 * 128), lambda g: (0, 0)),
            pl.BlockSpec((2 * 128, 128), lambda g: (0, 0)),
        ],
        out_specs=pl.BlockSpec((_RBP, 128), lambda g: (g, 0)),
        out_shape=jax.ShapeDtypeStruct((PACK_ROWS, 128), jnp.float32),
    )(acc1, xs1, dis, A1, b1t, A2)


def _tc_final(acc2, xs2, dis, b2p, Sm, Ss):
    return pl.pallas_call(
        _tc_final_body,
        grid=(_G,),
        in_specs=[
            pl.BlockSpec((NC, _RBP, 128), lambda g: (0, g, 0)),
            pl.BlockSpec((_RBP, 128), lambda g: (g, 0)),
            pl.BlockSpec((_RBP, 128), lambda g: (g, 0)),
            pl.BlockSpec((1, 128), lambda g: (0, 0)),
            pl.BlockSpec((128, 128), lambda g: (0, 0)),
            pl.BlockSpec((128, 128), lambda g: (0, 0)),
        ],
        out_specs=pl.BlockSpec((_RBP, 128), lambda g: (g, 0)),
        out_shape=jax.ShapeDtypeStruct((PACK_ROWS, 128), jnp.float32),
    )(acc2, xs2, dis, b2p, Sm, Ss)



def kernel(x, edge_index, W1, b1, W2, b2):
    f32 = jnp.float32
    ei_flat = edge_index.reshape(-1)
    x_pad = jnp.pad(x, ((0, N_PAD - N), (0, DP - D)))
    ones_b = jnp.ones((B,), f32)
    zeros1 = jnp.zeros((PT,), f32)
    zerosd = jnp.zeros((PT, DP), f32)

    eye16 = jnp.eye(16, dtype=f32)
    W1p = jnp.pad(W1, ((0, DP - D), (0, 0)))
    A1 = jnp.kron(eye16, W1p)
    b1t = jnp.tile(b1, 16).reshape(1, 2 * 128)
    W2p = jnp.pad(W2, ((0, 0), (0, DP - D)))
    A2 = jnp.kron(eye16, W2p)
    Sm = jnp.kron(eye16, jnp.pad(jnp.full((D, DP), 0.25, f32),
                                 ((0, DP - D), (0, 0))))
    Ss = jnp.kron(eye16, jnp.ones((DP, DP), f32))
    b2p = jnp.tile(jnp.concatenate([b2, jnp.full((DP - D,), -1e30, f32)]),
                   16).reshape(1, 128)

    dis_flat, xs1_flat = _sc_prep_kernel()(ei_flat, x_pad, zeros1, ones_b)
    xs1 = xs1_flat.reshape(N_PAD, DP)
    acc1 = _sc_propagate_kernel()(ei_flat, xs1, zerosd)

    dis_p = dis_flat.reshape(PACK_ROWS, 128)
    xs1_p = xs1_flat.reshape(PACK_ROWS, 128)
    acc1_p = acc1.reshape(NC, PACK_ROWS, 128)
    xs2_p = _tc_mid(acc1_p, xs1_p, dis_p, A1, b1t, A2)

    acc2 = _sc_propagate_kernel()(ei_flat, xs2_p.reshape(N_PAD, DP), zerosd)
    out_p = _tc_final(acc2.reshape(NC, PACK_ROWS, 128), xs2_p, dis_p,
                      b2p, Sm, Ss)
    return out_p.reshape(N_PAD, DP)[:N, :D]

# --- scband reference (transcript-rebuilt; emitter-appended) ---
"""Pipeline reference for scband-net-44856638439807 (READ-ONLY COPY).

The authoritative reference and input builder live on the scoring server;
editing this copy changes nothing except your own understanding.
"""

import jax, jax.numpy as jnp
import numpy as np

N = 100000
E = 3200000
D_IN = 4
D_HID = 16
D_OUT = 4


def setup_inputs(seed: int = 0) -> dict:
    key = jax.random.key(seed)
    k1, k2, k3, k4, k5, k6 = jax.random.split(key, 6)
    x = jax.random.normal(k1, (N, D_IN), dtype=jnp.float32)
    edge_index = jax.random.randint(k2, (2, E), 0, N, dtype=jnp.int32)
    W1 = jax.random.normal(k3, (D_IN, D_HID), dtype=jnp.float32) * np.sqrt(2.0 / (D_IN + D_HID))
    b1 = jnp.zeros((D_HID,), dtype=jnp.float32)
    W2 = jax.random.normal(k4, (D_HID, D_OUT), dtype=jnp.float32) * np.sqrt(2.0 / (D_HID + D_OUT))
    b2 = jnp.zeros((D_OUT,), dtype=jnp.float32)
    return {"x": x, "edge_index": edge_index, "W1": W1, "b1": b1, "W2": W2, "b2": b2}


def gcn_conv(x, edge_index, W, b):
    # GCNConv with symmetric normalization and self-loops (PyG semantics, cached weights irrelevant for math)
    n = x.shape[0]
    loop = jnp.arange(n, dtype=edge_index.dtype)
    row = jnp.concatenate([edge_index[0], loop])  # source
    col = jnp.concatenate([edge_index[1], loop])  # target (aggregation index)
    deg = jnp.zeros((n,), dtype=x.dtype).at[col].add(1.0)
    deg_inv_sqrt = jnp.where(deg > 0, 1.0 / jnp.sqrt(deg), 0.0)
    norm = deg_inv_sqrt[row] * deg_inv_sqrt[col]
    h = x @ W
    msg = norm[:, None] * h[row]
    out = jnp.zeros((n, W.shape[1]), dtype=x.dtype).at[col].add(msg)
    return out + b


def reference(x, edge_index, W1, b1, W2, b2):
    h = jax.nn.relu(gcn_conv(x, edge_index, W1, b1))
    # F.dropout is identity in deterministic reference (eval semantics)
    h = gcn_conv(h, edge_index, W2, b2)
    return jax.nn.log_softmax(h, axis=1)

if __name__ == "__main__":
    import jax
    _d = setup_inputs()
    print(jax.jit(kernel)(*tuple(_d.values())))

</pallas_src>

<mosaic_0001>
#map = affine_map<(d0, d1) -> (0)>
#map1 = affine_map<(d0, d1) -> (0, 0)>
module attributes {stable_mosaic.version = 14 : i64} {
  func.func @_sc_prep_body(%arg0: i32, %arg1: i32, %arg2: memref<6400000xi32, #tpu.memory_space<hbm>>, %arg3: memref<102400x8xf32, #tpu.memory_space<hbm>>, %arg4: memref<6400xf32, #tpu.memory_space<hbm>>, %arg5: memref<2000xf32, #tpu.memory_space<hbm>>, %arg6: memref<819200xf32, #tpu.memory_space<hbm>>, %arg7: memref<819200xf32, #tpu.memory_space<hbm>>, %arg8: memref<2000xi32, #tpu.memory_space<vmem>>, %arg9: memref<2000xi32, #tpu.memory_space<vmem>>, %arg10: memref<2000xf32, #tpu.memory_space<vmem>>, %arg11: memref<3200xf32, #tpu.memory_space<vmem>>, %arg12: memref<3200x8xf32, #tpu.memory_space<vmem>>, %arg13: memref<25600xf32, #tpu.memory_space<vmem>>, %arg14: memref<25600xf32, #tpu.memory_space<vmem>>, %arg15: memref<102400xf32, #tpu.memory_space<vmem_shared>>, %arg16: memref<!tpu.dma_semaphore, #tpu.memory_space<semaphore_mem>>, %arg17: memref<!tpu.dma_semaphore, #tpu.memory_space<semaphore_mem>>, %arg18: memref<!tpu.dma_semaphore, #tpu.memory_space<semaphore_mem>>, %arg19: memref<!tpu.dma_semaphore, #tpu.memory_space<semaphore_mem>>) attributes {dimension_semantics = [#tpu.dimension_semantics<core_parallel>, #tpu.dimension_semantics<subcore_parallel>], iteration_bounds = array<i64: 2, 16>, scalar_prefetch = 0 : i64, scratch_operands = 12 : i64, tpu.core_type = #tpu.core_type<sc_vector_subcore>, window_params = [{transform_indices = #map}, {transform_indices = #map1}, {transform_indices = #map}, {transform_indices = #map}, {transform_indices = #map}, {transform_indices = #map}]} {
    %mul3A = arith.constant 6400 : i32
    %mul3A_0 = arith.muli %arg1, %mul3A : i32
    "tpu.region"() ({
      %run_scoped3A = tpu.sem_alloc : memref<!tpu.dma_semaphore, #tpu.memory_space<semaphore_mem>>
      %dma_start3A_74 = tpu.memref_slice %arg15[%mul3A_0] : memref<102400xf32, #tpu.memory_space<vmem_shared>> -> memref<6400xf32, #tpu.memory_space<vmem_shared>>
      tpu.enqueue_dma source(%arg4 : memref<6400xf32, #tpu.memory_space<hbm>>) target(%dma_start3A_74 : memref<6400xf32, #tpu.memory_space<vmem_shared>>) target_semaphore(%run_scoped3A : memref<!tpu.dma_semaphore, #tpu.memory_space<semaphore_mem>>)
      %dma_wait3A = tpu.memref_slice %arg15[%mul3A_0] : memref<102400xf32, #tpu.memory_space<vmem_shared>> -> memref<6400xf32, #tpu.memory_space<vmem_shared>>
      tpu.wait_dma2 semaphore(%run_scoped3A : memref<!tpu.dma_semaphore, #tpu.memory_space<semaphore_mem>>) src(%arg4 : memref<6400xf32, #tpu.memory_space<hbm>>) dst(%dma_wait3A : memref<6400xf32, #tpu.memory_space<vmem_shared>>)
      tpu.yield
    }) : () -> ()
    "tpu.region"() ({
      %run_scoped3A = tpu.sem_alloc : memref<!tpu.dma_semaphore, #tpu.memory_space<semaphore_mem>>
      tpu.enqueue_dma source(%arg5 : memref<2000xf32, #tpu.memory_space<hbm>>) target(%arg10 : memref<2000xf32, #tpu.memory_space<vmem>>) target_semaphore(%run_scoped3A : memref<!tpu.dma_semaphore, #tpu.memory_space<semaphore_mem>>)
      tpu.wait_dma2 semaphore(%run_scoped3A : memref<!tpu.dma_semaphore, #tpu.memory_space<semaphore_mem>>) src(%arg5 : memref<2000xf32, #tpu.memory_space<hbm>>) dst(%arg10 : memref<2000xf32, #tpu.memory_space<vmem>>)
      tpu.yield
    }) : () -> ()
    %barrier3A = arith.constant 0 : index
    tpu.barrier barrier_id(%barrier3A)
    %mul3A_1 = arith.constant 200000 : i32
    %mul3A_2 = arith.muli %arg1, %mul3A_1 : i32
    %add3A = arith.constant 3200000 : i32
    %add3A_3 = arith.addi %add3A, %mul3A_2 : i32
    %dma_start3A = tpu.memref_slice %arg2[%add3A_3] : memref<6400000xi32, #tpu.memory_space<hbm>> -> memref<2000xi32, #tpu.memory_space<hbm>>
    %dma_start3A_4 = tpu.memref_slice %arg2[%add3A_3] : memref<6400000xi32, #tpu.memory_space<hbm>> -> memref<2000xi32, #tpu.memory_space<hbm>>
    tpu.enqueue_dma source(%dma_start3A_4 : memref<2000xi32, #tpu.memory_space<hbm>>) target(%arg8 : memref<2000xi32, #tpu.memory_space<vmem>>) target_semaphore(%arg16 : memref<!tpu.dma_semaphore, #tpu.memory_space<semaphore_mem>>)
    %add3A_5 = arith.constant 2000 : i32
    %add3A_6 = arith.addi %add3A_3, %add3A_5 : i32
    %dma_start3A_7 = tpu.memref_slice %arg2[%add3A_6] : memref<6400000xi32, #tpu.memory_space<hbm>> -> memref<2000xi32, #tpu.memory_space<hbm>>
    %dma_start3A_8 = tpu.memref_slice %arg2[%add3A_6] : memref<6400000xi32, #tpu.memory_space<hbm>> -> memref<2000xi32, #tpu.memory_space<hbm>>
    tpu.enqueue_dma source(%dma_start3A_8 : memref<2000xi32, #tpu.memory_space<hbm>>) target(%arg9 : memref<2000xi32, #tpu.memory_space<vmem>>) target_semaphore(%arg17 : memref<!tpu.dma_semaphore, #tpu.memory_space<semaphore_mem>>)
    %scan3A = arith.constant 0 : i32
    %scan3A_9 = arith.constant 0 : i32
    %scan3A_10 = arith.constant 50 : i32
    %scan3A_11 = arith.addi %scan3A_9, %scan3A_10 : i32
    %scan3A_12 = arith.constant 1 : i32
    scf.for %scan3A_74 = %scan3A_9 to %scan3A_11 step %scan3A_12  : i32 {
      %mul3A_75 = arith.constant 2 : i32
      %mul3A_76 = arith.muli %mul3A_75, %scan3A_74 : i32
      %mul3A_77 = arith.constant 2000 : i32
      %mul3A_78 = arith.muli %mul3A_76, %mul3A_77 : i32
      %add3A_79 = arith.addi %add3A_3, %mul3A_78 : i32
      %add3A_80 = arith.constant 2000 : i32
      %add3A_81 = arith.addi %add3A_79, %add3A_80 : i32
      %dma_wait3A = tpu.memref_slice %arg2[%add3A_79] : memref<6400000xi32, #tpu.memory_space<hbm>> -> memref<2000xi32, #tpu.memory_space<hbm>>
      %dma_wait3A_82 = tpu.memref_slice %arg2[%add3A_79] : memref<6400000xi32, #tpu.memory_space<hbm>> -> memref<2000xi32, #tpu.memory_space<hbm>>
      tpu.wait_dma2 semaphore(%arg16 : memref<!tpu.dma_semaphore, #tpu.memory_space<semaphore_mem>>) src(%dma_wait3A_82 : memref<2000xi32, #tpu.memory_space<hbm>>) dst(%arg8 : memref<2000xi32, #tpu.memory_space<vmem>>)
      %dma_start3A_83 = arith.constant 0 : i32
      %dma_start3A_84 = tpu.memref_slice %arg15[%dma_start3A_83] : memref<102400xf32, #tpu.memory_space<vmem_shared>> -> memref<102400xf32, #tpu.memory_space<vmem_shared>>
      tpu.enqueue_indirect_dma source(%arg10 : memref<2000xf32, #tpu.memory_space<vmem>>) target(%dma_start3A_84 : memref<102400xf32, #tpu.memory_space<vmem_shared>>) offsets(%arg8 : memref<2000xi32, #tpu.memory_space<vmem>>) semaphore(%arg18 : memref<!tpu.dma_semaphore, #tpu.memory_space<semaphore_mem>>) {add = true}
      %dma_wait3A_85 = tpu.memref_slice %arg2[%add3A_81] : memref<6400000xi32, #tpu.memory_space<hbm>> -> memref<2000xi32, #tpu.memory_space<hbm>>
      %dma_wait3A_86 = tpu.memref_slice %arg2[%add3A_81] : memref<6400000xi32, #tpu.memory_space<hbm>> -> memref<2000xi32, #tpu.memory_space<hbm>>
      tpu.wait_dma2 semaphore(%arg17 : memref<!tpu.dma_semaphore, #tpu.memory_space<semaphore_mem>>) src(%dma_wait3A_86 : memref<2000xi32, #tpu.memory_space<hbm>>) dst(%arg9 : memref<2000xi32, #tpu.memory_space<vmem>>)
      %dma_start3A_87 = arith.constant 0 : i32
      %dma_start3A_88 = tpu.memref_slice %arg15[%dma_start3A_87] : memref<102400xf32, #tpu.memory_space<vmem_shared>> -> memref<102400xf32, #tpu.memory_space<vmem_shared>>
      tpu.enqueue_indirect_dma source(%arg10 : memref<2000xf32, #tpu.memory_space<vmem>>) target(%dma_start3A_88 : memref<102400xf32, #tpu.memory_space<vmem_shared>>) offsets(%arg9 : memref<2000xi32, #tpu.memory_space<vmem>>) semaphore(%arg19 : memref<!tpu.dma_semaphore, #tpu.memory_space<semaphore_mem>>) {add = true}
      %dma_wait3A_89 = arith.constant 0 : i32
      %dma_wait3A_90 = tpu.memref_slice %arg15[%dma_wait3A_89] : memref<102400xf32, #tpu.memory_space<vmem_shared>> -> memref<102400xf32, #tpu.memory_space<vmem_shared>>
      tpu.wait_indirect_dma semaphore(%arg18 : memref<!tpu.dma_semaphore, #tpu.memory_space<semaphore_mem>>) src(%arg10 : memref<2000xf32, #tpu.memory_space<vmem>>) dst(%dma_wait3A_90 : memref<102400xf32, #tpu.memory_space<vmem_shared>>)
      %lt3A_91 = arith.constant 49 : i32
      %lt3A_92 = arith.cmpi slt, %scan3A_74, %lt3A_91 : i32
      %convert_element_type3A = arith.extui %lt3A_92 : i1 to i32
      %cond3A = arith.constant 0 : i32
      %cond3A_93 = arith.cmpi ne, %convert_element_type3A, %cond3A : i32
      scf.if %cond3A_93 {
        %add3A_101 = arith.constant 4000 : i32
        %add3A_102 = arith.addi %add3A_79, %add3A_101 : i32
        %dma_start3A_103 = tpu.memref_slice %arg2[%add3A_102] : memref<6400000xi32, #tpu.memory_space<hbm>> -> memref<2000xi32, #tpu.memory_space<hbm>>
        %dma_start3A_104 = tpu.memref_slice %arg2[%add3A_102] : memref<6400000xi32, #tpu.memory_space<hbm>> -> memref<2000xi32, #tpu.memory_space<hbm>>
        tpu.enqueue_dma source(%dma_start3A_104 : memref<2000xi32, #tpu.memory_space<hbm>>) target(%arg8 : memref<2000xi32, #tpu.memory_space<vmem>>) target_semaphore(%arg16 : memref<!tpu.dma_semaphore, #tpu.memory_space<semaphore_mem>>)
      } else {
      }
      %dma_wait3A_94 = arith.constant 0 : i32
      %dma_wait3A_95 = tpu.memref_slice %arg15[%dma_wait3A_94] : memref<102400xf32, #tpu.memory_space<vmem_shared>> -> memref<102400xf32, #tpu.memory_space<vmem_shared>>
      tpu.wait_indirect_dma semaphore(%arg19 : memref<!tpu.dma_semaphore, #tpu.memory_space<semaphore_mem>>) src(%arg10 : memref<2000xf32, #tpu.memory_space<vmem>>) dst(%dma_wait3A_95 : memref<102400xf32, #tpu.memory_space<vmem_shared>>)
      %lt3A_96 = arith.constant 49 : i32
      %lt3A_97 = arith.cmpi slt, %scan3A_74, %lt3A_96 : i32
      %convert_element_type3A_98 = arith.extui %lt3A_97 : i1 to i32
      %cond3A_99 = arith.constant 0 : i32
      %cond3A_100 = arith.cmpi ne, %convert_element_type3A_98, %cond3A_99 : i32
      scf.if %cond3A_100 {
        %add3A_101 = arith.constant 4000 : i32
        %add3A_102 = arith.addi %add3A_81, %add3A_101 : i32
        %dma_start3A_103 = tpu.memref_slice %arg2[%add3A_102] : memref<6400000xi32, #tpu.memory_space<hbm>> -> memref<2000xi32, #tpu.memory_space<hbm>>
        %dma_start3A_104 = tpu.memref_slice %arg2[%add3A_102] : memref<6400000xi32, #tpu.memory_space<hbm>> -> memref<2000xi32, #tpu.memory_space<hbm>>
        tpu.enqueue_dma source(%dma_start3A_104 : memref<2000xi32, #tpu.memory_space<hbm>>) target(%arg9 : memref<2000xi32, #tpu.memory_space<vmem>>) target_semaphore(%arg17 : memref<!tpu.dma_semaphore, #tpu.memory_space<semaphore_mem>>)
      } else {
      }
    }
    %scan3A_13 = arith.constant 50 : i32
    %barrier3A_14 = arith.constant 0 : index
    tpu.barrier barrier_id(%barrier3A_14)
    %mul3A_15 = arith.constant 16 : i32
    %mul3A_16 = arith.muli %arg0, %mul3A_15 : i32
    %add3A_17 = arith.addi %mul3A_16, %arg1 : i32
    %mul3A_18 = arith.constant 3200 : i32
    %mul3A_19 = arith.muli %add3A_17, %mul3A_18 : i32
    "tpu.region"() ({
      %run_scoped3A = tpu.sem_alloc : memref<!tpu.dma_semaphore, #tpu.memory_space<semaphore_mem>>
      %dma_start3A_74 = tpu.memref_slice %arg15[%mul3A_19] : memref<102400xf32, #tpu.memory_space<vmem_shared>> -> memref<3200xf32, #tpu.memory_space<vmem_shared>>
      %dma_start3A_75 = tpu.memref_slice %arg15[%mul3A_19] : memref<102400xf32, #tpu.memory_space<vmem_shared>> -> memref<3200xf32, #tpu.memory_space<vmem_shared>>
      tpu.enqueue_dma source(%dma_start3A_75 : memref<3200xf32, #tpu.memory_space<vmem_shared>>) target(%arg11 : memref<3200xf32, #tpu.memory_space<vmem>>) target_semaphore(%run_scoped3A : memref<!tpu.dma_semaphore, #tpu.memory_space<semaphore_mem>>)
      %dma_wait3A = tpu.memref_slice %arg15[%mul3A_19] : memref<102400xf32, #tpu.memory_space<vmem_shared>> -> memref<3200xf32, #tpu.memory_space<vmem_shared>>
      %dma_wait3A_76 = tpu.memref_slice %arg15[%mul3A_19] : memref<102400xf32, #tpu.memory_space<vmem_shared>> -> memref<3200xf32, #tpu.memory_space<vmem_shared>>
      tpu.wait_dma2 semaphore(%run_scoped3A : memref<!tpu.dma_semaphore, #tpu.memory_space<semaphore_mem>>) src(%dma_wait3A_76 : memref<3200xf32, #tpu.memory_space<vmem_shared>>) dst(%arg11 : memref<3200xf32, #tpu.memory_space<vmem>>)
      tpu.yield
    }) : () -> ()
    "tpu.region"() ({
      %run_scoped3A = tpu.sem_alloc : memref<!tpu.dma_semaphore, #tpu.memory_space<semaphore_mem>>
      %dma_start3A_74 = arith.constant 0 : i32
      %dma_start3A_75 = tpu.memref_slice %arg3[%mul3A_19, %dma_start3A_74] : memref<102400x8xf32, #tpu.memory_space<hbm>> -> memref<3200x8xf32, #tpu.memory_space<hbm>>
      %dma_start3A_76 = arith.constant 0 : i32
      %dma_start3A_77 = tpu.memref_slice %arg3[%mul3A_19, %dma_start3A_76] : memref<102400x8xf32, #tpu.memory_space<hbm>> -> memref<3200x8xf32, #tpu.memory_space<hbm>>
      tpu.enqueue_dma source(%dma_start3A_77 : memref<3200x8xf32, #tpu.memory_space<hbm>>) target(%arg12 : memref<3200x8xf32, #tpu.memory_space<vmem>>) target_semaphore(%run_scoped3A : memref<!tpu.dma_semaphore, #tpu.memory_space<semaphore_mem>>)
      %dma_wait3A = arith.constant 0 : i32
      %dma_wait3A_78 = tpu.memref_slice %arg3[%mul3A_19, %dma_wait3A] : memref<102400x8xf32, #tpu.memory_space<hbm>> -> memref<3200x8xf32, #tpu.memory_space<hbm>>
      %dma_wait3A_79 = arith.constant 0 : i32
      %dma_wait3A_80 = tpu.memref_slice %arg3[%mul3A_19, %dma_wait3A_79] : memref<102400x8xf32, #tpu.memory_space<hbm>> -> memref<3200x8xf32, #tpu.memory_space<hbm>>
      tpu.wait_dma2 semaphore(%run_scoped3A : memref<!tpu.dma_semaphore, #tpu.memory_space<semaphore_mem>>) src(%dma_wait3A_80 : memref<3200x8xf32, #tpu.memory_space<hbm>>) dst(%arg12 : memref<3200x8xf32, #tpu.memory_space<vmem>>)
      tpu.yield
    }) : () -> ()
    %iota3A = tpu.iota {dimensions = array<i32: 0>} : vector<16xi32>
    %jit3A = arith.constant 8 : i32
    %div3A = vector.broadcast %jit3A : i32 to vector<16xi32>
    %div3A_20 = arith.divsi %iota3A, %div3A : vector<16xi32>
    %sign3A = arith.constant 0 : i32
    %sign3A_21 = vector.broadcast %sign3A : i32 to vector<16xi32>
    %sign3A_22 = arith.cmpi sgt, %iota3A, %sign3A_21 : vector<16xi32>
    %sign3A_23 = arith.extui %sign3A_22 : vector<16xi1> to vector<16xi32>
    %sign3A_24 = arith.constant 0 : i32
    %sign3A_25 = vector.broadcast %sign3A_24 : i32 to vector<16xi32>
    %sign3A_26 = arith.cmpi slt, %iota3A, %sign3A_25 : vector<16xi32>
    %sign3A_27 = arith.extui %sign3A_26 : vector<16xi1> to vector<16xi32>
    %sign3A_28 = arith.subi %sign3A_23, %sign3A_27 : vector<16xi32>
    %sign3A_29 = arith.constant 0 : i32
    %sign3A_30 = arith.cmpi sgt, %jit3A, %sign3A_29 : i32
    %sign3A_31 = arith.extui %sign3A_30 : i1 to i32
    %sign3A_32 = arith.constant 0 : i32
    %sign3A_33 = arith.cmpi slt, %jit3A, %sign3A_32 : i32
    %sign3A_34 = arith.extui %sign3A_33 : i1 to i32
    %sign3A_35 = arith.subi %sign3A_31, %sign3A_34 : i32
    %ne3A = vector.broadcast %sign3A_35 : i32 to vector<16xi32>
    %ne3A_36 = arith.cmpi ne, %sign3A_28, %ne3A : vector<16xi32>
    %rem3A = vector.broadcast %jit3A : i32 to vector<16xi32>
    %rem3A_37 = arith.remsi %iota3A, %rem3A : vector<16xi32>
    %ne3A_38 = arith.constant 0 : i32
    %ne3A_39 = vector.broadcast %ne3A_38 : i32 to vector<16xi32>
    %ne3A_40 = arith.cmpi ne, %rem3A_37, %ne3A_39 : vector<16xi32>
    %and3A = arith.andi %ne3A_36, %ne3A_40 : vector<16xi1>
    %sub3A = arith.constant 1 : i32
    %sub3A_41 = vector.broadcast %sub3A : i32 to vector<16xi32>
    %sub3A_42 = arith.subi %div3A_20, %sub3A_41 : vector<16xi32>
    %select_n3A = arith.select %and3A, %sub3A_42, %div3A_20 : vector<16xi1>, vector<16xi32>
    %iota3A_43 = tpu.iota {dimensions = array<i32: 0>} : vector<16xi32>
    %jit3A_44 = arith.constant 8 : i32
    %eq3A = arith.constant 0 : i32
    %eq3A_45 = arith.cmpi eq, %jit3A_44, %eq3A : i32
    %jit3A_46 = arith.constant 1 : i32
    %select_n3A_47 = arith.select %eq3A_45, %jit3A_46, %jit3A_44 : i32
    %rem3A_48 = vector.broadcast %select_n3A_47 : i32 to vector<16xi32>
    %rem3A_49 = arith.remsi %iota3A_43, %rem3A_48 : vector<16xi32>
    %ne3A_50 = arith.constant 0 : i32
    %ne3A_51 = vector.broadcast %ne3A_50 : i32 to vector<16xi32>
    %ne3A_52 = arith.cmpi ne, %rem3A_49, %ne3A_51 : vector<16xi32>
    %lt3A = arith.constant 0 : i32
    %lt3A_53 = vector.broadcast %lt3A : i32 to vector<16xi32>
    %lt3A_54 = arith.cmpi slt, %rem3A_49, %lt3A_53 : vector<16xi32>
    %lt3A_55 = arith.constant 0 : i32
    %lt3A_56 = arith.cmpi slt, %select_n3A_47, %lt3A_55 : i32
    %ne3A_57 = vector.broadcast %lt3A_56 : i1 to vector<16xi1>
    %ne3A_58 = vector.broadcast %ne3A_57 : vector<16xi1> to vector<16xi1>
    %ne3A_59 = arith.xori %lt3A_54, %ne3A_58 : vector<16xi1>
    %and3A_60 = arith.andi %ne3A_59, %ne3A_52 : vector<16xi1>
    %add3A_61 = vector.broadcast %select_n3A_47 : i32 to vector<16xi32>
    %add3A_62 = arith.addi %rem3A_49, %add3A_61 : vector<16xi32>
    %select_n3A_63 = arith.select %and3A_60, %add3A_62, %rem3A_49 : vector<16xi1>, vector<16xi32>
    %scan3A_64 = arith.constant 0 : i32
    %scan3A_65 = arith.constant 0 : i32
    %scan3A_66 = arith.constant 1600 : i32
    %scan3A_67 = arith.addi %scan3A_65, %scan3A_66 : i32
    %scan3A_68 = arith.constant 1 : i32
    scf.for %scan3A_74 = %scan3A_65 to %scan3A_67 step %scan3A_68  : i32 {
      %mul3A_75 = arith.constant 2 : i32
      %mul3A_76 = arith.muli %mul3A_75, %scan3A_74 : i32
      %add3A_77 = vector.broadcast %mul3A_76 : i32 to vector<16xi32>
      %add3A_78 = arith.addi %select_n3A, %add3A_77 : vector<16xi32>
      %gather3A = tpu.vector_load_idx %arg11[%add3A_78] : memref<3200xf32, #tpu.memory_space<vmem>>[vector<16xi32>], vector<16xf32>,
      %add3A_79 = arith.constant 1.000000e+00 : f32
      %add3A_80 = vector.broadcast %add3A_79 : f32 to vector<16xf32>
      %add3A_81 = arith.addf %gather3A, %add3A_80 : vector<16xf32>
      %bitcast3A = vector.bitcast %add3A_81 : vector<16xf32> to vector<16xi32>
      %shift_right_logical3A = arith.constant 1 : i32
      %shift_right_logical3A_82 = vector.broadcast %shift_right_logical3A : i32 to vector<16xi32>
      %shift_right_logical3A_83 = arith.shrui %bitcast3A, %shift_right_logical3A_82 : vector<16xi32>
      %sub3A_84 = arith.constant 1597463007 : i32
      %sub3A_85 = vector.broadcast %sub3A_84 : i32 to vector<16xi32>
      %sub3A_86 = arith.subi %sub3A_85, %shift_right_logical3A_83 : vector<16xi32>
      %bitcast3A_87 = vector.bitcast %sub3A_86 : vector<16xi32> to vector<16xf32>
      %mul3A_88 = arith.constant 5.000000e-01 : f32
      %mul3A_89 = vector.broadcast %mul3A_88 : f32 to vector<16xf32>
      %mul3A_90 = arith.mulf %mul3A_89, %add3A_81 : vector<16xf32>
      %mul3A_91 = arith.mulf %mul3A_90, %bitcast3A_87 : vector<16xf32>
      %mul3A_92 = arith.mulf %mul3A_91, %bitcast3A_87 : vector<16xf32>
      %sub3A_93 = arith.constant 1.500000e+00 : f32
      %sub3A_94 = vector.broadcast %sub3A_93 : f32 to vector<16xf32>
      %sub3A_95 = arith.subf %sub3A_94, %mul3A_92 : vector<16xf32>
      %mul3A_96 = arith.mulf %bitcast3A_87, %sub3A_95 : vector<16xf32>
      %mul3A_97 = arith.constant 5.000000e-01 : f32
      %mul3A_98 = vector.broadcast %mul3A_97 : f32 to vector<16xf32>
      %mul3A_99 = arith.mulf %mul3A_98, %add3A_81 : vector<16xf32>
      %mul3A_100 = arith.mulf %mul3A_99, %mul3A_96 : vector<16xf32>
      %mul3A_101 = arith.mulf %mul3A_100, %mul3A_96 : vector<16xf32>
      %sub3A_102 = arith.constant 1.500000e+00 : f32
      %sub3A_103 = vector.broadcast %sub3A_102 : f32 to vector<16xf32>
      %sub3A_104 = arith.subf %sub3A_103, %mul3A_101 : vector<16xf32>
      %mul3A_105 = arith.mulf %mul3A_96, %sub3A_104 : vector<16xf32>
      %mul3A_106 = arith.constant 5.000000e-01 : f32
      %mul3A_107 = vector.broadcast %mul3A_106 : f32 to vector<16xf32>
      %mul3A_108 = arith.mulf %mul3A_107, %add3A_81 : vector<16xf32>
      %mul3A_109 = arith.mulf %mul3A_108, %mul3A_105 : vector<16xf32>
      %mul3A_110 = arith.mulf %mul3A_109, %mul3A_105 : vector<16xf32>
      %sub3A_111 = arith.constant 1.500000e+00 : f32
      %sub3A_112 = vector.broadcast %sub3A_111 : f32 to vector<16xf32>
      %sub3A_113 = arith.subf %sub3A_112, %mul3A_110 : vector<16xf32>
      %mul3A_114 = arith.mulf %mul3A_105, %sub3A_113 : vector<16xf32>
      %gather3A_115 = tpu.vector_load_idx %arg12[%add3A_78, %select_n3A_63] : memref<3200x8xf32, #tpu.memory_space<vmem>>[vector<16xi32>, vector<16xi32>], vector<16xf32>,
      %mul3A_116 = arith.constant 16 : i32
      %mul3A_117 = arith.muli %mul3A_116, %scan3A_74 : i32
      %swap3A = arith.index_cast %mul3A_117 : i32 to index
      %swap3A_118 = tpu.vector_load %arg14[%swap3A] {strides = array<i32>} : memref<25600xf32, #tpu.memory_space<vmem>>, vector<16xf32>,
      tpu.vector_store %arg14[%swap3A], %mul3A_114 {strides = array<i32>} : memref<25600xf32, #tpu.memory_space<vmem>>, vector<16xf32>,
      %mul3A_119 = arith.mulf %mul3A_114, %gather3A_115 : vector<16xf32>
      %mul3A_120 = arith.constant 16 : i32
      %mul3A_121 = arith.muli %mul3A_120, %scan3A_74 : i32
      %swap3A_122 = arith.index_cast %mul3A_121 : i32 to index
      %swap3A_123 = tpu.vector_load %arg13[%swap3A_122] {strides = array<i32>} : memref<25600xf32, #tpu.memory_space<vmem>>, vector<16xf32>,
      tpu.vector_store %arg13[%swap3A_122], %mul3A_119 {strides = array<i32>} : memref<25600xf32, #tpu.memory_space<vmem>>, vector<16xf32>,
    }
    %scan3A_69 = arith.constant 1600 : i32
    %mul3A_70 = arith.constant 8 : i32
    %mul3A_71 = arith.muli %mul3A_19, %mul3A_70 : i32
    "tpu.region"() ({
      %run_scoped3A = tpu.sem_alloc : memref<!tpu.dma_semaphore, #tpu.memory_space<semaphore_mem>>
      %dma_start3A_74 = tpu.memref_slice %arg6[%mul3A_71] : memref<819200xf32, #tpu.memory_space<hbm>> -> memref<25600xf32, #tpu.memory_space<hbm>>
      %dma_start3A_75 = tpu.memref_slice %arg6[%mul3A_71] : memref<819200xf32, #tpu.memory_space<hbm>> -> memref<25600xf32, #tpu.memory_space<hbm>>
      tpu.enqueue_dma source(%arg14 : memref<25600xf32, #tpu.memory_space<vmem>>) target(%dma_start3A_75 : memref<25600xf32, #tpu.memory_space<hbm>>) target_semaphore(%run_scoped3A : memref<!tpu.dma_semaphore, #tpu.memory_space<semaphore_mem>>)
      %dma_wait3A = tpu.memref_slice %arg6[%mul3A_71] : memref<819200xf32, #tpu.memory_space<hbm>> -> memref<25600xf32, #tpu.memory_space<hbm>>
      %dma_wait3A_76 = tpu.memref_slice %arg6[%mul3A_71] : memref<819200xf32, #tpu.memory_space<hbm>> -> memref<25600xf32, #tpu.memory_space<hbm>>
      tpu.wait_dma2 semaphore(%run_scoped3A : memref<!tpu.dma_semaphore, #tpu.memory_space<semaphore_mem>>) src(%arg14 : memref<25600xf32, #tpu.memory_space<vmem>>) dst(%dma_wait3A_76 : memref<25600xf32, #tpu.memory_space<hbm>>)
      tpu.yield
    }) : () -> ()
    %mul3A_72 = arith.constant 8 : i32
    %mul3A_73 = arith.muli %mul3A_19, %mul3A_72 : i32
    "tpu.region"() ({
      %run_scoped3A = tpu.sem_alloc : memref<!tpu.dma_semaphore, #tpu.memory_space<semaphore_mem>>
      %dma_start3A_74 = tpu.memref_slice %arg7[%mul3A_73] : memref<819200xf32, #tpu.memory_space<hbm>> -> memref<25600xf32, #tpu.memory_space<hbm>>
      %dma_start3A_75 = tpu.memref_slice %arg7[%mul3A_73] : memref<819200xf32, #tpu.memory_space<hbm>> -> memref<25600xf32, #tpu.memory_space<hbm>>
      tpu.enqueue_dma source(%arg13 : memref<25600xf32, #tpu.memory_space<vmem>>) target(%dma_start3A_75 : memref<25600xf32, #tpu.memory_space<hbm>>) target_semaphore(%run_scoped3A : memref<!tpu.dma_semaphore, #tpu.memory_space<semaphore_mem>>)
      %dma_wait3A = tpu.memref_slice %arg7[%mul3A_73] : memref<819200xf32, #tpu.memory_space<hbm>> -> memref<25600xf32, #tpu.memory_space<hbm>>
      %dma_wait3A_76 = tpu.memref_slice %arg7[%mul3A_73] : memref<819200xf32, #tpu.memory_space<hbm>> -> memref<25600xf32, #tpu.memory_space<hbm>>
      tpu.wait_dma2 semaphore(%run_scoped3A : memref<!tpu.dma_semaphore, #tpu.memory_space<semaphore_mem>>) src(%arg13 : memref<25600xf32, #tpu.memory_space<vmem>>) dst(%dma_wait3A_76 : memref<25600xf32, #tpu.memory_space<hbm>>)
      tpu.yield
    }) : () -> ()
    return
  }
}

#map = affine_map<(d0, d1) -> (0)>
#map1 = affine_map<(d0, d1) -> (0, 0)>
#map2 = affine_map<(d0, d1) -> (0, 0, 0)>
module attributes {stable_mosaic.version = 14 : i64} {
  func.func @_sc_propagate_body(%arg0: i32, %arg1: i32, %arg2: memref<6400000xi32, #tpu.memory_space<hbm>>, %arg3: memref<102400x8xf32, #tpu.memory_space<hbm>>, %arg4: memref<6400x8xf32, #tpu.memory_space<hbm>>, %arg5: memref<2x102400x8xf32, #tpu.memory_space<hbm>>, %arg6: memref<2000xi32, #tpu.memory_space<vmem>>, %arg7: memref<2000xi32, #tpu.memory_space<vmem>>, %arg8: memref<2000x8xf32, #tpu.memory_space<vmem>>, %arg9: memref<2000xi32, #tpu.memory_space<vmem>>, %arg10: memref<2000xi32, #tpu.memory_space<vmem>>, %arg11: memref<2000x8xf32, #tpu.memory_space<vmem>>, %arg12: memref<102400x8xf32, #tpu.memory_space<vmem_shared>>, %arg13: memref<!tpu.dma_semaphore, #tpu.memory_space<semaphore_mem>>, %arg14: memref<!tpu.dma_semaphore, #tpu.memory_space<semaphore_mem>>, %arg15: memref<!tpu.dma_semaphore, #tpu.memory_space<semaphore_mem>>, %arg16: memref<!tpu.dma_semaphore, #tpu.memory_space<semaphore_mem>>, %arg17: memref<!tpu.dma_semaphore, #tpu.memory_space<semaphore_mem>>, %arg18: memref<!tpu.dma_semaphore, #tpu.memory_space<semaphore_mem>>) attributes {dimension_semantics = [#tpu.dimension_semantics<core_parallel>, #tpu.dimension_semantics<subcore_parallel>], iteration_bounds = array<i64: 2, 16>, scalar_prefetch = 0 : i64, scratch_operands = 13 : i64, tpu.core_type = #tpu.core_type<sc_vector_subcore>, window_params = [{transform_indices = #map}, {transform_indices = #map1}, {transform_indices = #map1}, {transform_indices = #map2}]} {
    %mul3A = arith.constant 16 : i32
    %mul3A_0 = arith.muli %arg0, %mul3A : i32
    %add3A = arith.addi %mul3A_0, %arg1 : i32
    %mul3A_1 = arith.constant 6400 : i32
    %mul3A_2 = arith.muli %arg1, %mul3A_1 : i32
    "tpu.region"() ({
      %run_scoped3A = tpu.sem_alloc : memref<!tpu.dma_semaphore, #tpu.memory_space<semaphore_mem>>
      %dma_start3A_28 = arith.constant 0 : i32
      %dma_start3A_29 = tpu.memref_slice %arg12[%mul3A_2, %dma_start3A_28] : memref<102400x8xf32, #tpu.memory_space<vmem_shared>> -> memref<6400x8xf32, #tpu.memory_space<vmem_shared>>
      tpu.enqueue_dma source(%arg4 : memref<6400x8xf32, #tpu.memory_space<hbm>>) target(%dma_start3A_29 : memref<6400x8xf32, #tpu.memory_space<vmem_shared>>) target_semaphore(%run_scoped3A : memref<!tpu.dma_semaphore, #tpu.memory_space<semaphore_mem>>)
      %dma_wait3A = arith.constant 0 : i32
      %dma_wait3A_30 = tpu.memref_slice %arg12[%mul3A_2, %dma_wait3A] : memref<102400x8xf32, #tpu.memory_space<vmem_shared>> -> memref<6400x8xf32, #tpu.memory_space<vmem_shared>>
      tpu.wait_dma2 semaphore(%run_scoped3A : memref<!tpu.dma_semaphore, #tpu.memory_space<semaphore_mem>>) src(%arg4 : memref<6400x8xf32, #tpu.memory_space<hbm>>) dst(%dma_wait3A_30 : memref<6400x8xf32, #tpu.memory_space<vmem_shared>>)
      tpu.yield
    }) : () -> ()
    %barrier3A = arith.constant 0 : index
    tpu.barrier barrier_id(%barrier3A)
    %mul3A_3 = arith.constant 100000 : i32
    %mul3A_4 = arith.muli %add3A, %mul3A_3 : i32
    %dma_start3A = tpu.memref_slice %arg2[%mul3A_4] : memref<6400000xi32, #tpu.memory_space<hbm>> -> memref<2000xi32, #tpu.memory_space<hbm>>
    %dma_start3A_5 = tpu.memref_slice %arg2[%mul3A_4] : memref<6400000xi32, #tpu.memory_space<hbm>> -> memref<2000xi32, #tpu.memory_space<hbm>>
    tpu.enqueue_dma source(%dma_start3A_5 : memref<2000xi32, #tpu.memory_space<hbm>>) target(%arg6 : memref<2000xi32, #tpu.memory_space<vmem>>) target_semaphore(%arg13 : memref<!tpu.dma_semaphore, #tpu.memory_space<semaphore_mem>>)
    %add3A_6 = arith.constant 3200000 : i32
    %add3A_7 = arith.addi %add3A_6, %mul3A_4 : i32
    %dma_start3A_8 = tpu.memref_slice %arg2[%add3A_7] : memref<6400000xi32, #tpu.memory_space<hbm>> -> memref<2000xi32, #tpu.memory_space<hbm>>
    %dma_start3A_9 = tpu.memref_slice %arg2[%add3A_7] : memref<6400000xi32, #tpu.memory_space<hbm>> -> memref<2000xi32, #tpu.memory_space<hbm>>
    tpu.enqueue_dma source(%dma_start3A_9 : memref<2000xi32, #tpu.memory_space<hbm>>) target(%arg7 : memref<2000xi32, #tpu.memory_space<vmem>>) target_semaphore(%arg13 : memref<!tpu.dma_semaphore, #tpu.memory_space<semaphore_mem>>)
    %add3A_10 = arith.constant 2000 : i32
    %add3A_11 = arith.addi %mul3A_4, %add3A_10 : i32
    %dma_start3A_12 = tpu.memref_slice %arg2[%add3A_11] : memref<6400000xi32, #tpu.memory_space<hbm>> -> memref<2000xi32, #tpu.memory_space<hbm>>
    %dma_start3A_13 = tpu.memref_slice %arg2[%add3A_11] : memref<6400000xi32, #tpu.memory_space<hbm>> -> memref<2000xi32, #tpu.memory_space<hbm>>
    tpu.enqueue_dma source(%dma_start3A_13 : memref<2000xi32, #tpu.memory_space<hbm>>) target(%arg9 : memref<2000xi32, #tpu.memory_space<vmem>>) target_semaphore(%arg14 : memref<!tpu.dma_semaphore, #tpu.memory_space<semaphore_mem>>)
    %add3A_14 = arith.constant 3200000 : i32
    %add3A_15 = arith.addi %add3A_14, %add3A_11 : i32
    %dma_start3A_16 = tpu.memref_slice %arg2[%add3A_15] : memref<6400000xi32, #tpu.memory_space<hbm>> -> memref<2000xi32, #tpu.memory_space<hbm>>
    %dma_start3A_17 = tpu.memref_slice %arg2[%add3A_15] : memref<6400000xi32, #tpu.memory_space<hbm>> -> memref<2000xi32, #tpu.memory_space<hbm>>
    tpu.enqueue_dma source(%dma_start3A_17 : memref<2000xi32, #tpu.memory_space<hbm>>) target(%arg10 : memref<2000xi32, #tpu.memory_space<vmem>>) target_semaphore(%arg14 : memref<!tpu.dma_semaphore, #tpu.memory_space<semaphore_mem>>)
    %scan3A = arith.constant 0 : i32
    %scan3A_18 = arith.constant 0 : i32
    %scan3A_19 = arith.constant 25 : i32
    %scan3A_20 = arith.addi %scan3A_18, %scan3A_19 : i32
    %scan3A_21 = arith.constant 1 : i32
    scf.for %scan3A_28 = %scan3A_18 to %scan3A_20 step %scan3A_21  : i32 {
      %mul3A_29 = arith.constant 2 : i32
      %mul3A_30 = arith.muli %mul3A_29, %scan3A_28 : i32
      %mul3A_31 = arith.constant 2000 : i32
      %mul3A_32 = arith.muli %mul3A_30, %mul3A_31 : i32
      %add3A_33 = arith.addi %mul3A_4, %mul3A_32 : i32
      %add3A_34 = arith.constant 2000 : i32
      %add3A_35 = arith.addi %add3A_33, %add3A_34 : i32
      %dma_wait3A = tpu.memref_slice %arg2[%add3A_33] : memref<6400000xi32, #tpu.memory_space<hbm>> -> memref<2000xi32, #tpu.memory_space<hbm>>
      %dma_wait3A_36 = tpu.memref_slice %arg2[%add3A_33] : memref<6400000xi32, #tpu.memory_space<hbm>> -> memref<2000xi32, #tpu.memory_space<hbm>>
      tpu.wait_dma2 semaphore(%arg13 : memref<!tpu.dma_semaphore, #tpu.memory_space<semaphore_mem>>) src(%dma_wait3A_36 : memref<2000xi32, #tpu.memory_space<hbm>>) dst(%arg6 : memref<2000xi32, #tpu.memory_space<vmem>>)
      %add3A_37 = arith.constant 3200000 : i32
      %add3A_38 = arith.addi %add3A_37, %add3A_33 : i32
      %dma_wait3A_39 = tpu.memref_slice %arg2[%add3A_38] : memref<6400000xi32, #tpu.memory_space<hbm>> -> memref<2000xi32, #tpu.memory_space<hbm>>
      %dma_wait3A_40 = tpu.memref_slice %arg2[%add3A_38] : memref<6400000xi32, #tpu.memory_space<hbm>> -> memref<2000xi32, #tpu.memory_space<hbm>>
      tpu.wait_dma2 semaphore(%arg13 : memref<!tpu.dma_semaphore, #tpu.memory_space<semaphore_mem>>) src(%dma_wait3A_40 : memref<2000xi32, #tpu.memory_space<hbm>>) dst(%arg7 : memref<2000xi32, #tpu.memory_space<vmem>>)
      %dma_start3A_41 = arith.constant 0 : i32
      %dma_start3A_42 = arith.constant 0 : i32
      %dma_start3A_43 = tpu.memref_slice %arg3[%dma_start3A_41, %dma_start3A_42] : memref<102400x8xf32, #tpu.memory_space<hbm>> -> memref<102400x8xf32, #tpu.memory_space<hbm>>
      tpu.enqueue_indirect_dma source(%dma_start3A_43 : memref<102400x8xf32, #tpu.memory_space<hbm>>) target(%arg8 : memref<2000x8xf32, #tpu.memory_space<vmem>>) offsets(%arg6 : memref<2000xi32, #tpu.memory_space<vmem>>) semaphore(%arg15 : memref<!tpu.dma_semaphore, #tpu.memory_space<semaphore_mem>>)
      %dma_wait3A_44 = tpu.memref_slice %arg2[%add3A_35] : memref<6400000xi32, #tpu.memory_space<hbm>> -> memref<2000xi32, #tpu.memory_space<hbm>>
      %dma_wait3A_45 = tpu.memref_slice %arg2[%add3A_35] : memref<6400000xi32, #tpu.memory_space<hbm>> -> memref<2000xi32, #tpu.memory_space<hbm>>
      tpu.wait_dma2 semaphore(%arg14 : memref<!tpu.dma_semaphore, #tpu.memory_space<semaphore_mem>>) src(%dma_wait3A_45 : memref<2000xi32, #tpu.memory_space<hbm>>) dst(%arg9 : memref<2000xi32, #tpu.memory_space<vmem>>)
      %add3A_46 = arith.constant 3200000 : i32
      %add3A_47 = arith.addi %add3A_46, %add3A_35 : i32
      %dma_wait3A_48 = tpu.memref_slice %arg2[%add3A_47] : memref<6400000xi32, #tpu.memory_space<hbm>> -> memref<2000xi32, #tpu.memory_space<hbm>>
      %dma_wait3A_49 = tpu.memref_slice %arg2[%add3A_47] : memref<6400000xi32, #tpu.memory_space<hbm>> -> memref<2000xi32, #tpu.memory_space<hbm>>
      tpu.wait_dma2 semaphore(%arg14 : memref<!tpu.dma_semaphore, #tpu.memory_space<semaphore_mem>>) src(%dma_wait3A_49 : memref<2000xi32, #tpu.memory_space<hbm>>) dst(%arg10 : memref<2000xi32, #tpu.memory_space<vmem>>)
      %dma_start3A_50 = arith.constant 0 : i32
      %dma_start3A_51 = arith.constant 0 : i32
      %dma_start3A_52 = tpu.memref_slice %arg3[%dma_start3A_50, %dma_start3A_51] : memref<102400x8xf32, #tpu.memory_space<hbm>> -> memref<102400x8xf32, #tpu.memory_space<hbm>>
      tpu.enqueue_indirect_dma source(%dma_start3A_52 : memref<102400x8xf32, #tpu.memory_space<hbm>>) target(%arg11 : memref<2000x8xf32, #tpu.memory_space<vmem>>) offsets(%arg9 : memref<2000xi32, #tpu.memory_space<vmem>>) semaphore(%arg16 : memref<!tpu.dma_semaphore, #tpu.memory_space<semaphore_mem>>)
      %dma_wait3A_53 = arith.constant 0 : i32
      %dma_wait3A_54 = arith.constant 0 : i32
      %dma_wait3A_55 = tpu.memref_slice %arg3[%dma_wait3A_53, %dma_wait3A_54] : memref<102400x8xf32, #tpu.memory_space<hbm>> -> memref<102400x8xf32, #tpu.memory_space<hbm>>
      tpu.wait_indirect_dma semaphore(%arg15 : memref<!tpu.dma_semaphore, #tpu.memory_space<semaphore_mem>>) src(%dma_wait3A_55 : memref<102400x8xf32, #tpu.memory_space<hbm>>) dst(%arg8 : memref<2000x8xf32, #tpu.memory_space<vmem>>)
      %dma_start3A_56 = arith.constant 0 : i32
      %dma_start3A_57 = arith.constant 0 : i32
      %dma_start3A_58 = tpu.memref_slice %arg12[%dma_start3A_56, %dma_start3A_57] : memref<102400x8xf32, #tpu.memory_space<vmem_shared>> -> memref<102400x8xf32, #tpu.memory_space<vmem_shared>>
      tpu.enqueue_indirect_dma source(%arg8 : memref<2000x8xf32, #tpu.memory_space<vmem>>) target(%dma_start3A_58 : memref<102400x8xf32, #tpu.memory_space<vmem_shared>>) offsets(%arg7 : memref<2000xi32, #tpu.memory_space<vmem>>) semaphore(%arg17 : memref<!tpu.dma_semaphore, #tpu.memory_space<semaphore_mem>>) {add = true}
      %dma_wait3A_59 = arith.constant 0 : i32
      %dma_wait3A_60 = arith.constant 0 : i32
      %dma_wait3A_61 = tpu.memref_slice %arg3[%dma_wait3A_59, %dma_wait3A_60] : memref<102400x8xf32, #tpu.memory_space<hbm>> -> memref<102400x8xf32, #tpu.memory_space<hbm>>
      tpu.wait_indirect_dma semaphore(%arg16 : memref<!tpu.dma_semaphore, #tpu.memory_space<semaphore_mem>>) src(%dma_wait3A_61 : memref<102400x8xf32, #tpu.memory_space<hbm>>) dst(%arg11 : memref<2000x8xf32, #tpu.memory_space<vmem>>)
      %dma_start3A_62 = arith.constant 0 : i32
      %dma_start3A_63 = arith.constant 0 : i32
      %dma_start3A_64 = tpu.memref_slice %arg12[%dma_start3A_62, %dma_start3A_63] : memref<102400x8xf32, #tpu.memory_space<vmem_shared>> -> memref<102400x8xf32, #tpu.memory_space<vmem_shared>>
      tpu.enqueue_indirect_dma source(%arg11 : memref<2000x8xf32, #tpu.memory_space<vmem>>) target(%dma_start3A_64 : memref<102400x8xf32, #tpu.memory_space<vmem_shared>>) offsets(%arg10 : memref<2000xi32, #tpu.memory_space<vmem>>) semaphore(%arg18 : memref<!tpu.dma_semaphore, #tpu.memory_space<semaphore_mem>>) {add = true}
      %dma_wait3A_65 = arith.constant 0 : i32
      %dma_wait3A_66 = arith.constant 0 : i32
      %dma_wait3A_67 = tpu.memref_slice %arg12[%dma_wait3A_65, %dma_wait3A_66] : memref<102400x8xf32, #tpu.memory_space<vmem_shared>> -> memref<102400x8xf32, #tpu.memory_space<vmem_shared>>
      tpu.wait_indirect_dma semaphore(%arg17 : memref<!tpu.dma_semaphore, #tpu.memory_space<semaphore_mem>>) src(%arg8 : memref<2000x8xf32, #tpu.memory_space<vmem>>) dst(%dma_wait3A_67 : memref<102400x8xf32, #tpu.memory_space<vmem_shared>>)
      %lt3A = arith.constant 24 : i32
      %lt3A_68 = arith.cmpi slt, %scan3A_28, %lt3A : i32
      %convert_element_type3A = arith.extui %lt3A_68 : i1 to i32
      %cond3A = arith.constant 0 : i32
      %cond3A_69 = arith.cmpi ne, %convert_element_type3A, %cond3A : i32
      scf.if %cond3A_69 {
        %add3A_78 = arith.constant 4000 : i32
        %add3A_79 = arith.addi %add3A_33, %add3A_78 : i32
        %dma_start3A_80 = tpu.memref_slice %arg2[%add3A_79] : memref<6400000xi32, #tpu.memory_space<hbm>> -> memref<2000xi32, #tpu.memory_space<hbm>>
        %dma_start3A_81 = tpu.memref_slice %arg2[%add3A_79] : memref<6400000xi32, #tpu.memory_space<hbm>> -> memref<2000xi32, #tpu.memory_space<hbm>>
        tpu.enqueue_dma source(%dma_start3A_81 : memref<2000xi32, #tpu.memory_space<hbm>>) target(%arg6 : memref<2000xi32, #tpu.memory_space<vmem>>) target_semaphore(%arg13 : memref<!tpu.dma_semaphore, #tpu.memory_space<semaphore_mem>>)
        %add3A_82 = arith.constant 3200000 : i32
        %add3A_83 = arith.addi %add3A_82, %add3A_79 : i32
        %dma_start3A_84 = tpu.memref_slice %arg2[%add3A_83] : memref<6400000xi32, #tpu.memory_space<hbm>> -> memref<2000xi32, #tpu.memory_space<hbm>>
        %dma_start3A_85 = tpu.memref_slice %arg2[%add3A_83] : memref<6400000xi32, #tpu.memory_space<hbm>> -> memref<2000xi32, #tpu.memory_space<hbm>>
        tpu.enqueue_dma source(%dma_start3A_85 : memref<2000xi32, #tpu.memory_space<hbm>>) target(%arg7 : memref<2000xi32, #tpu.memory_space<vmem>>) target_semaphore(%arg13 : memref<!tpu.dma_semaphore, #tpu.memory_space<semaphore_mem>>)
      } else {
      }
      %dma_wait3A_70 = arith.constant 0 : i32
      %dma_wait3A_71 = arith.constant 0 : i32
      %dma_wait3A_72 = tpu.memref_slice %arg12[%dma_wait3A_70, %dma_wait3A_71] : memref<102400x8xf32, #tpu.memory_space<vmem_shared>> -> memref<102400x8xf32, #tpu.memory_space<vmem_shared>>
      tpu.wait_indirect_dma semaphore(%arg18 : memref<!tpu.dma_semaphore, #tpu.memory_space<semaphore_mem>>) src(%arg11 : memref<2000x8xf32, #tpu.memory_space<vmem>>) dst(%dma_wait3A_72 : memref<102400x8xf32, #tpu.memory_space<vmem_shared>>)
      %lt3A_73 = arith.constant 24 : i32
      %lt3A_74 = arith.cmpi slt, %scan3A_28, %lt3A_73 : i32
      %convert_element_type3A_75 = arith.extui %lt3A_74 : i1 to i32
      %cond3A_76 = arith.constant 0 : i32
      %cond3A_77 = arith.cmpi ne, %convert_element_type3A_75, %cond3A_76 : i32
      scf.if %cond3A_77 {
        %add3A_78 = arith.constant 4000 : i32
        %add3A_79 = arith.addi %add3A_35, %add3A_78 : i32
        %dma_start3A_80 = tpu.memref_slice %arg2[%add3A_79] : memref<6400000xi32, #tpu.memory_space<hbm>> -> memref<2000xi32, #tpu.memory_space<hbm>>
        %dma_start3A_81 = tpu.memref_slice %arg2[%add3A_79] : memref<6400000xi32, #tpu.memory_space<hbm>> -> memref<2000xi32, #tpu.memory_space<hbm>>
        tpu.enqueue_dma source(%dma_start3A_81 : memref<2000xi32, #tpu.memory_space<hbm>>) target(%arg9 : memref<2000xi32, #tpu.memory_space<vmem>>) target_semaphore(%arg14 : memref<!tpu.dma_semaphore, #tpu.memory_space<semaphore_mem>>)
        %add3A_82 = arith.constant 3200000 : i32
        %add3A_83 = arith.addi %add3A_82, %add3A_79 : i32
        %dma_start3A_84 = tpu.memref_slice %arg2[%add3A_83] : memref<6400000xi32, #tpu.memory_space<hbm>> -> memref<2000xi32, #tpu.memory_space<hbm>>
        %dma_start3A_85 = tpu.memref_slice %arg2[%add3A_83] : memref<6400000xi32, #tpu.memory_space<hbm>> -> memref<2000xi32, #tpu.memory_space<hbm>>
        tpu.enqueue_dma source(%dma_start3A_85 : memref<2000xi32, #tpu.memory_space<hbm>>) target(%arg10 : memref<2000xi32, #tpu.memory_space<vmem>>) target_semaphore(%arg14 : memref<!tpu.dma_semaphore, #tpu.memory_space<semaphore_mem>>)
      } else {
      }
    }
    %scan3A_22 = arith.constant 25 : i32
    %barrier3A_23 = arith.constant 0 : index
    tpu.barrier barrier_id(%barrier3A_23)
    %mul3A_24 = arith.constant 6400 : i32
    %mul3A_25 = arith.muli %arg1, %mul3A_24 : i32
    %mul3A_26 = arith.constant 6400 : i32
    %mul3A_27 = arith.muli %arg1, %mul3A_26 : i32
    "tpu.region"() ({
      %run_scoped3A = tpu.sem_alloc : memref<!tpu.dma_semaphore, #tpu.memory_space<semaphore_mem>>
      %dma_start3A_28 = arith.constant 0 : i32
      %dma_start3A_29 = tpu.memref_slice %arg5[%arg0, %mul3A_27, %dma_start3A_28] : memref<2x102400x8xf32, #tpu.memory_space<hbm>> -> memref<1x6400x8xf32, #tpu.memory_space<hbm>>
      %dma_start3A_30 = tpu.memref_squeeze %dma_start3A_29 : memref<1x6400x8xf32, #tpu.memory_space<hbm>> -> memref<6400x8xf32, #tpu.memory_space<hbm>>
      %dma_start3A_31 = arith.constant 0 : i32
      %dma_start3A_32 = tpu.memref_slice %arg12[%mul3A_25, %dma_start3A_31] : memref<102400x8xf32, #tpu.memory_space<vmem_shared>> -> memref<6400x8xf32, #tpu.memory_space<vmem_shared>>
      tpu.enqueue_dma source(%dma_start3A_32 : memref<6400x8xf32, #tpu.memory_space<vmem_shared>>) target(%dma_start3A_30 : memref<6400x8xf32, #tpu.memory_space<hbm>>) target_semaphore(%run_scoped3A : memref<!tpu.dma_semaphore, #tpu.memory_space<semaphore_mem>>)
      %dma_wait3A = arith.constant 0 : i32
      %dma_wait3A_33 = tpu.memref_slice %arg5[%arg0, %mul3A_27, %dma_wait3A] : memref<2x102400x8xf32, #tpu.memory_space<hbm>> -> memref<1x6400x8xf32, #tpu.memory_space<hbm>>
      %dma_wait3A_34 = tpu.memref_squeeze %dma_wait3A_33 : memref<1x6400x8xf32, #tpu.memory_space<hbm>> -> memref<6400x8xf32, #tpu.memory_space<hbm>>
      %dma_wait3A_35 = arith.constant 0 : i32
      %dma_wait3A_36 = tpu.memref_slice %arg12[%mul3A_25, %dma_wait3A_35] : memref<102400x8xf32, #tpu.memory_space<vmem_shared>> -> memref<6400x8xf32, #tpu.memory_space<vmem_shared>>
      tpu.wait_dma2 semaphore(%run_scoped3A : memref<!tpu.dma_semaphore, #tpu.memory_space<semaphore_mem>>) src(%dma_wait3A_36 : memref<6400x8xf32, #tpu.memory_space<vmem_shared>>) dst(%dma_wait3A_34 : memref<6400x8xf32, #tpu.memory_space<hbm>>)
      tpu.yield
    }) : () -> ()
    return
  }
}

#map = affine_map<(d0, d1) -> (0)>
#map1 = affine_map<(d0, d1) -> (0, 0)>
#map2 = affine_map<(d0, d1) -> (0, 0, 0)>
module attributes {stable_mosaic.version = 14 : i64} {
  func.func @_sc_propagate_body(%arg0: i32, %arg1: i32, %arg2: memref<6400000xi32, #tpu.memory_space<hbm>>, %arg3: memref<102400x8xf32, #tpu.memory_space<hbm>>, %arg4: memref<6400x8xf32, #tpu.memory_space<hbm>>, %arg5: memref<2x102400x8xf32, #tpu.memory_space<hbm>>, %arg6: memref<2000xi32, #tpu.memory_space<vmem>>, %arg7: memref<2000xi32, #tpu.memory_space<vmem>>, %arg8: memref<2000x8xf32, #tpu.memory_space<vmem>>, %arg9: memref<2000xi32, #tpu.memory_space<vmem>>, %arg10: memref<2000xi32, #tpu.memory_space<vmem>>, %arg11: memref<2000x8xf32, #tpu.memory_space<vmem>>, %arg12: memref<102400x8xf32, #tpu.memory_space<vmem_shared>>, %arg13: memref<!tpu.dma_semaphore, #tpu.memory_space<semaphore_mem>>, %arg14: memref<!tpu.dma_semaphore, #tpu.memory_space<semaphore_mem>>, %arg15: memref<!tpu.dma_semaphore, #tpu.memory_space<semaphore_mem>>, %arg16: memref<!tpu.dma_semaphore, #tpu.memory_space<semaphore_mem>>, %arg17: memref<!tpu.dma_semaphore, #tpu.memory_space<semaphore_mem>>, %arg18: memref<!tpu.dma_semaphore, #tpu.memory_space<semaphore_mem>>) attributes {dimension_semantics = [#tpu.dimension_semantics<core_parallel>, #tpu.dimension_semantics<subcore_parallel>], iteration_bounds = array<i64: 2, 16>, scalar_prefetch = 0 : i64, scratch_operands = 13 : i64, tpu.core_type = #tpu.core_type<sc_vector_subcore>, window_params = [{transform_indices = #map}, {transform_indices = #map1}, {transform_indices = #map1}, {transform_indices = #map2}]} {
    %mul3A = arith.constant 16 : i32
    %mul3A_0 = arith.muli %arg0, %mul3A : i32
    %add3A = arith.addi %mul3A_0, %arg1 : i32
    %mul3A_1 = arith.constant 6400 : i32
    %mul3A_2 = arith.muli %arg1, %mul3A_1 : i32
    "tpu.region"() ({
      %run_scoped3A = tpu.sem_alloc : memref<!tpu.dma_semaphore, #tpu.memory_space<semaphore_mem>>
      %dma_start3A_28 = arith.constant 0 : i32
      %dma_start3A_29 = tpu.memref_slice %arg12[%mul3A_2, %dma_start3A_28] : memref<102400x8xf32, #tpu.memory_space<vmem_shared>> -> memref<6400x8xf32, #tpu.memory_space<vmem_shared>>
      tpu.enqueue_dma source(%arg4 : memref<6400x8xf32, #tpu.memory_space<hbm>>) target(%dma_start3A_29 : memref<6400x8xf32, #tpu.memory_space<vmem_shared>>) target_semaphore(%run_scoped3A : memref<!tpu.dma_semaphore, #tpu.memory_space<semaphore_mem>>)
      %dma_wait3A = arith.constant 0 : i32
      %dma_wait3A_30 = tpu.memref_slice %arg12[%mul3A_2, %dma_wait3A] : memref<102400x8xf32, #tpu.memory_space<vmem_shared>> -> memref<6400x8xf32, #tpu.memory_space<vmem_shared>>
      tpu.wait_dma2 semaphore(%run_scoped3A : memref<!tpu.dma_semaphore, #tpu.memory_space<semaphore_mem>>) src(%arg4 : memref<6400x8xf32, #tpu.memory_space<hbm>>) dst(%dma_wait3A_30 : memref<6400x8xf32, #tpu.memory_space<vmem_shared>>)
      tpu.yield
    }) : () -> ()
    %barrier3A = arith.constant 0 : index
    tpu.barrier barrier_id(%barrier3A)
    %mul3A_3 = arith.constant 100000 : i32
    %mul3A_4 = arith.muli %add3A, %mul3A_3 : i32
    %dma_start3A = tpu.memref_slice %arg2[%mul3A_4] : memref<6400000xi32, #tpu.memory_space<hbm>> -> memref<2000xi32, #tpu.memory_space<hbm>>
    %dma_start3A_5 = tpu.memref_slice %arg2[%mul3A_4] : memref<6400000xi32, #tpu.memory_space<hbm>> -> memref<2000xi32, #tpu.memory_space<hbm>>
    tpu.enqueue_dma source(%dma_start3A_5 : memref<2000xi32, #tpu.memory_space<hbm>>) target(%arg6 : memref<2000xi32, #tpu.memory_space<vmem>>) target_semaphore(%arg13 : memref<!tpu.dma_semaphore, #tpu.memory_space<semaphore_mem>>)
    %add3A_6 = arith.constant 3200000 : i32
    %add3A_7 = arith.addi %add3A_6, %mul3A_4 : i32
    %dma_start3A_8 = tpu.memref_slice %arg2[%add3A_7] : memref<6400000xi32, #tpu.memory_space<hbm>> -> memref<2000xi32, #tpu.memory_space<hbm>>
    %dma_start3A_9 = tpu.memref_slice %arg2[%add3A_7] : memref<6400000xi32, #tpu.memory_space<hbm>> -> memref<2000xi32, #tpu.memory_space<hbm>>
    tpu.enqueue_dma source(%dma_start3A_9 : memref<2000xi32, #tpu.memory_space<hbm>>) target(%arg7 : memref<2000xi32, #tpu.memory_space<vmem>>) target_semaphore(%arg13 : memref<!tpu.dma_semaphore, #tpu.memory_space<semaphore_mem>>)
    %add3A_10 = arith.constant 2000 : i32
    %add3A_11 = arith.addi %mul3A_4, %add3A_10 : i32
    %dma_start3A_12 = tpu.memref_slice %arg2[%add3A_11] : memref<6400000xi32, #tpu.memory_space<hbm>> -> memref<2000xi32, #tpu.memory_space<hbm>>
    %dma_start3A_13 = tpu.memref_slice %arg2[%add3A_11] : memref<6400000xi32, #tpu.memory_space<hbm>> -> memref<2000xi32, #tpu.memory_space<hbm>>
    tpu.enqueue_dma source(%dma_start3A_13 : memref<2000xi32, #tpu.memory_space<hbm>>) target(%arg9 : memref<2000xi32, #tpu.memory_space<vmem>>) target_semaphore(%arg14 : memref<!tpu.dma_semaphore, #tpu.memory_space<semaphore_mem>>)
    %add3A_14 = arith.constant 3200000 : i32
    %add3A_15 = arith.addi %add3A_14, %add3A_11 : i32
    %dma_start3A_16 = tpu.memref_slice %arg2[%add3A_15] : memref<6400000xi32, #tpu.memory_space<hbm>> -> memref<2000xi32, #tpu.memory_space<hbm>>
    %dma_start3A_17 = tpu.memref_slice %arg2[%add3A_15] : memref<6400000xi32, #tpu.memory_space<hbm>> -> memref<2000xi32, #tpu.memory_space<hbm>>
    tpu.enqueue_dma source(%dma_start3A_17 : memref<2000xi32, #tpu.memory_space<hbm>>) target(%arg10 : memref<2000xi32, #tpu.memory_space<vmem>>) target_semaphore(%arg14 : memref<!tpu.dma_semaphore, #tpu.memory_space<semaphore_mem>>)
    %scan3A = arith.constant 0 : i32
    %scan3A_18 = arith.constant 0 : i32
    %scan3A_19 = arith.constant 25 : i32
    %scan3A_20 = arith.addi %scan3A_18, %scan3A_19 : i32
    %scan3A_21 = arith.constant 1 : i32
    scf.for %scan3A_28 = %scan3A_18 to %scan3A_20 step %scan3A_21  : i32 {
      %mul3A_29 = arith.constant 2 : i32
      %mul3A_30 = arith.muli %mul3A_29, %scan3A_28 : i32
      %mul3A_31 = arith.constant 2000 : i32
      %mul3A_32 = arith.muli %mul3A_30, %mul3A_31 : i32
      %add3A_33 = arith.addi %mul3A_4, %mul3A_32 : i32
      %add3A_34 = arith.constant 2000 : i32
      %add3A_35 = arith.addi %add3A_33, %add3A_34 : i32
      %dma_wait3A = tpu.memref_slice %arg2[%add3A_33] : memref<6400000xi32, #tpu.memory_space<hbm>> -> memref<2000xi32, #tpu.memory_space<hbm>>
      %dma_wait3A_36 = tpu.memref_slice %arg2[%add3A_33] : memref<6400000xi32, #tpu.memory_space<hbm>> -> memref<2000xi32, #tpu.memory_space<hbm>>
      tpu.wait_dma2 semaphore(%arg13 : memref<!tpu.dma_semaphore, #tpu.memory_space<semaphore_mem>>) src(%dma_wait3A_36 : memref<2000xi32, #tpu.memory_space<hbm>>) dst(%arg6 : memref<2000xi32, #tpu.memory_space<vmem>>)
      %add3A_37 = arith.constant 3200000 : i32
      %add3A_38 = arith.addi %add3A_37, %add3A_33 : i32
      %dma_wait3A_39 = tpu.memref_slice %arg2[%add3A_38] : memref<6400000xi32, #tpu.memory_space<hbm>> -> memref<2000xi32, #tpu.memory_space<hbm>>
      %dma_wait3A_40 = tpu.memref_slice %arg2[%add3A_38] : memref<6400000xi32, #tpu.memory_space<hbm>> -> memref<2000xi32, #tpu.memory_space<hbm>>
      tpu.wait_dma2 semaphore(%arg13 : memref<!tpu.dma_semaphore, #tpu.memory_space<semaphore_mem>>) src(%dma_wait3A_40 : memref<2000xi32, #tpu.memory_space<hbm>>) dst(%arg7 : memref<2000xi32, #tpu.memory_space<vmem>>)
      %dma_start3A_41 = arith.constant 0 : i32
      %dma_start3A_42 = arith.constant 0 : i32
      %dma_start3A_43 = tpu.memref_slice %arg3[%dma_start3A_41, %dma_start3A_42] : memref<102400x8xf32, #tpu.memory_space<hbm>> -> memref<102400x8xf32, #tpu.memory_space<hbm>>
      tpu.enqueue_indirect_dma source(%dma_start3A_43 : memref<102400x8xf32, #tpu.memory_space<hbm>>) target(%arg8 : memref<2000x8xf32, #tpu.memory_space<vmem>>) offsets(%arg6 : memref<2000xi32, #tpu.memory_space<vmem>>) semaphore(%arg15 : memref<!tpu.dma_semaphore, #tpu.memory_space<semaphore_mem>>)
      %dma_wait3A_44 = tpu.memref_slice %arg2[%add3A_35] : memref<6400000xi32, #tpu.memory_space<hbm>> -> memref<2000xi32, #tpu.memory_space<hbm>>
      %dma_wait3A_45 = tpu.memref_slice %arg2[%add3A_35] : memref<6400000xi32, #tpu.memory_space<hbm>> -> memref<2000xi32, #tpu.memory_space<hbm>>
      tpu.wait_dma2 semaphore(%arg14 : memref<!tpu.dma_semaphore, #tpu.memory_space<semaphore_mem>>) src(%dma_wait3A_45 : memref<2000xi32, #tpu.memory_space<hbm>>) dst(%arg9 : memref<2000xi32, #tpu.memory_space<vmem>>)
      %add3A_46 = arith.constant 3200000 : i32
      %add3A_47 = arith.addi %add3A_46, %add3A_35 : i32
      %dma_wait3A_48 = tpu.memref_slice %arg2[%add3A_47] : memref<6400000xi32, #tpu.memory_space<hbm>> -> memref<2000xi32, #tpu.memory_space<hbm>>
      %dma_wait3A_49 = tpu.memref_slice %arg2[%add3A_47] : memref<6400000xi32, #tpu.memory_space<hbm>> -> memref<2000xi32, #tpu.memory_space<hbm>>
      tpu.wait_dma2 semaphore(%arg14 : memref<!tpu.dma_semaphore, #tpu.memory_space<semaphore_mem>>) src(%dma_wait3A_49 : memref<2000xi32, #tpu.memory_space<hbm>>) dst(%arg10 : memref<2000xi32, #tpu.memory_space<vmem>>)
      %dma_start3A_50 = arith.constant 0 : i32
      %dma_start3A_51 = arith.constant 0 : i32
      %dma_start3A_52 = tpu.memref_slice %arg3[%dma_start3A_50, %dma_start3A_51] : memref<102400x8xf32, #tpu.memory_space<hbm>> -> memref<102400x8xf32, #tpu.memory_space<hbm>>
      tpu.enqueue_indirect_dma source(%dma_start3A_52 : memref<102400x8xf32, #tpu.memory_space<hbm>>) target(%arg11 : memref<2000x8xf32, #tpu.memory_space<vmem>>) offsets(%arg9 : memref<2000xi32, #tpu.memory_space<vmem>>) semaphore(%arg16 : memref<!tpu.dma_semaphore, #tpu.memory_space<semaphore_mem>>)
      %dma_wait3A_53 = arith.constant 0 : i32
      %dma_wait3A_54 = arith.constant 0 : i32
      %dma_wait3A_55 = tpu.memref_slice %arg3[%dma_wait3A_53, %dma_wait3A_54] : memref<102400x8xf32, #tpu.memory_space<hbm>> -> memref<102400x8xf32, #tpu.memory_space<hbm>>
      tpu.wait_indirect_dma semaphore(%arg15 : memref<!tpu.dma_semaphore, #tpu.memory_space<semaphore_mem>>) src(%dma_wait3A_55 : memref<102400x8xf32, #tpu.memory_space<hbm>>) dst(%arg8 : memref<2000x8xf32, #tpu.memory_space<vmem>>)
      %dma_start3A_56 = arith.constant 0 : i32
      %dma_start3A_57 = arith.constant 0 : i32
      %dma_start3A_58 = tpu.memref_slice %arg12[%dma_start3A_56, %dma_start3A_57] : memref<102400x8xf32, #tpu.memory_space<vmem_shared>> -> memref<102400x8xf32, #tpu.memory_space<vmem_shared>>
      tpu.enqueue_indirect_dma source(%arg8 : memref<2000x8xf32, #tpu.memory_space<vmem>>) target(%dma_start3A_58 : memref<102400x8xf32, #tpu.memory_space<vmem_shared>>) offsets(%arg7 : memref<2000xi32, #tpu.memory_space<vmem>>) semaphore(%arg17 : memref<!tpu.dma_semaphore, #tpu.memory_space<semaphore_mem>>) {add = true}
      %dma_wait3A_59 = arith.constant 0 : i32
      %dma_wait3A_60 = arith.constant 0 : i32
      %dma_wait3A_61 = tpu.memref_slice %arg3[%dma_wait3A_59, %dma_wait3A_60] : memref<102400x8xf32, #tpu.memory_space<hbm>> -> memref<102400x8xf32, #tpu.memory_space<hbm>>
      tpu.wait_indirect_dma semaphore(%arg16 : memref<!tpu.dma_semaphore, #tpu.memory_space<semaphore_mem>>) src(%dma_wait3A_61 : memref<102400x8xf32, #tpu.memory_space<hbm>>) dst(%arg11 : memref<2000x8xf32, #tpu.memory_space<vmem>>)
      %dma_start3A_62 = arith.constant 0 : i32
      %dma_start3A_63 = arith.constant 0 : i32
      %dma_start3A_64 = tpu.memref_slice %arg12[%dma_start3A_62, %dma_start3A_63] : memref<102400x8xf32, #tpu.memory_space<vmem_shared>> -> memref<102400x8xf32, #tpu.memory_space<vmem_shared>>
      tpu.enqueue_indirect_dma source(%arg11 : memref<2000x8xf32, #tpu.memory_space<vmem>>) target(%dma_start3A_64 : memref<102400x8xf32, #tpu.memory_space<vmem_shared>>) offsets(%arg10 : memref<2000xi32, #tpu.memory_space<vmem>>) semaphore(%arg18 : memref<!tpu.dma_semaphore, #tpu.memory_space<semaphore_mem>>) {add = true}
      %dma_wait3A_65 = arith.constant 0 : i32
      %dma_wait3A_66 = arith.constant 0 : i32
      %dma_wait3A_67 = tpu.memref_slice %arg12[%dma_wait3A_65, %dma_wait3A_66] : memref<102400x8xf32, #tpu.memory_space<vmem_shared>> -> memref<102400x8xf32, #tpu.memory_space<vmem_shared>>
      tpu.wait_indirect_dma semaphore(%arg17 : memref<!tpu.dma_semaphore, #tpu.memory_space<semaphore_mem>>) src(%arg8 : memref<2000x8xf32, #tpu.memory_space<vmem>>) dst(%dma_wait3A_67 : memref<102400x8xf32, #tpu.memory_space<vmem_shared>>)
      %lt3A = arith.constant 24 : i32
      %lt3A_68 = arith.cmpi slt, %scan3A_28, %lt3A : i32
      %convert_element_type3A = arith.extui %lt3A_68 : i1 to i32
      %cond3A = arith.constant 0 : i32
      %cond3A_69 = arith.cmpi ne, %convert_element_type3A, %cond3A : i32
      scf.if %cond3A_69 {
        %add3A_78 = arith.constant 4000 : i32
        %add3A_79 = arith.addi %add3A_33, %add3A_78 : i32
        %dma_start3A_80 = tpu.memref_slice %arg2[%add3A_79] : memref<6400000xi32, #tpu.memory_space<hbm>> -> memref<2000xi32, #tpu.memory_space<hbm>>
        %dma_start3A_81 = tpu.memref_slice %arg2[%add3A_79] : memref<6400000xi32, #tpu.memory_space<hbm>> -> memref<2000xi32, #tpu.memory_space<hbm>>
        tpu.enqueue_dma source(%dma_start3A_81 : memref<2000xi32, #tpu.memory_space<hbm>>) target(%arg6 : memref<2000xi32, #tpu.memory_space<vmem>>) target_semaphore(%arg13 : memref<!tpu.dma_semaphore, #tpu.memory_space<semaphore_mem>>)
        %add3A_82 = arith.constant 3200000 : i32
        %add3A_83 = arith.addi %add3A_82, %add3A_79 : i32
        %dma_start3A_84 = tpu.memref_slice %arg2[%add3A_83] : memref<6400000xi32, #tpu.memory_space<hbm>> -> memref<2000xi32, #tpu.memory_space<hbm>>
        %dma_start3A_85 = tpu.memref_slice %arg2[%add3A_83] : memref<6400000xi32, #tpu.memory_space<hbm>> -> memref<2000xi32, #tpu.memory_space<hbm>>
        tpu.enqueue_dma source(%dma_start3A_85 : memref<2000xi32, #tpu.memory_space<hbm>>) target(%arg7 : memref<2000xi32, #tpu.memory_space<vmem>>) target_semaphore(%arg13 : memref<!tpu.dma_semaphore, #tpu.memory_space<semaphore_mem>>)
      } else {
      }
      %dma_wait3A_70 = arith.constant 0 : i32
      %dma_wait3A_71 = arith.constant 0 : i32
      %dma_wait3A_72 = tpu.memref_slice %arg12[%dma_wait3A_70, %dma_wait3A_71] : memref<102400x8xf32, #tpu.memory_space<vmem_shared>> -> memref<102400x8xf32, #tpu.memory_space<vmem_shared>>
      tpu.wait_indirect_dma semaphore(%arg18 : memref<!tpu.dma_semaphore, #tpu.memory_space<semaphore_mem>>) src(%arg11 : memref<2000x8xf32, #tpu.memory_space<vmem>>) dst(%dma_wait3A_72 : memref<102400x8xf32, #tpu.memory_space<vmem_shared>>)
      %lt3A_73 = arith.constant 24 : i32
      %lt3A_74 = arith.cmpi slt, %scan3A_28, %lt3A_73 : i32
      %convert_element_type3A_75 = arith.extui %lt3A_74 : i1 to i32
      %cond3A_76 = arith.constant 0 : i32
      %cond3A_77 = arith.cmpi ne, %convert_element_type3A_75, %cond3A_76 : i32
      scf.if %cond3A_77 {
        %add3A_78 = arith.constant 4000 : i32
        %add3A_79 = arith.addi %add3A_35, %add3A_78 : i32
        %dma_start3A_80 = tpu.memref_slice %arg2[%add3A_79] : memref<6400000xi32, #tpu.memory_space<hbm>> -> memref<2000xi32, #tpu.memory_space<hbm>>
        %dma_start3A_81 = tpu.memref_slice %arg2[%add3A_79] : memref<6400000xi32, #tpu.memory_space<hbm>> -> memref<2000xi32, #tpu.memory_space<hbm>>
        tpu.enqueue_dma source(%dma_start3A_81 : memref<2000xi32, #tpu.memory_space<hbm>>) target(%arg9 : memref<2000xi32, #tpu.memory_space<vmem>>) target_semaphore(%arg14 : memref<!tpu.dma_semaphore, #tpu.memory_space<semaphore_mem>>)
        %add3A_82 = arith.constant 3200000 : i32
        %add3A_83 = arith.addi %add3A_82, %add3A_79 : i32
        %dma_start3A_84 = tpu.memref_slice %arg2[%add3A_83] : memref<6400000xi32, #tpu.memory_space<hbm>> -> memref<2000xi32, #tpu.memory_space<hbm>>
        %dma_start3A_85 = tpu.memref_slice %arg2[%add3A_83] : memref<6400000xi32, #tpu.memory_space<hbm>> -> memref<2000xi32, #tpu.memory_space<hbm>>
        tpu.enqueue_dma source(%dma_start3A_85 : memref<2000xi32, #tpu.memory_space<hbm>>) target(%arg10 : memref<2000xi32, #tpu.memory_space<vmem>>) target_semaphore(%arg14 : memref<!tpu.dma_semaphore, #tpu.memory_space<semaphore_mem>>)
      } else {
      }
    }
    %scan3A_22 = arith.constant 25 : i32
    %barrier3A_23 = arith.constant 0 : index
    tpu.barrier barrier_id(%barrier3A_23)
    %mul3A_24 = arith.constant 6400 : i32
    %mul3A_25 = arith.muli %arg1, %mul3A_24 : i32
    %mul3A_26 = arith.constant 6400 : i32
    %mul3A_27 = arith.muli %arg1, %mul3A_26 : i32
    "tpu.region"() ({
      %run_scoped3A = tpu.sem_alloc : memref<!tpu.dma_semaphore, #tpu.memory_space<semaphore_mem>>
      %dma_start3A_28 = arith.constant 0 : i32
      %dma_start3A_29 = tpu.memref_slice %arg5[%arg0, %mul3A_27, %dma_start3A_28] : memref<2x102400x8xf32, #tpu.memory_space<hbm>> -> memref<1x6400x8xf32, #tpu.memory_space<hbm>>
      %dma_start3A_30 = tpu.memref_squeeze %dma_start3A_29 : memref<1x6400x8xf32, #tpu.memory_space<hbm>> -> memref<6400x8xf32, #tpu.memory_space<hbm>>
      %dma_start3A_31 = arith.constant 0 : i32
      %dma_start3A_32 = tpu.memref_slice %arg12[%mul3A_25, %dma_start3A_31] : memref<102400x8xf32, #tpu.memory_space<vmem_shared>> -> memref<6400x8xf32, #tpu.memory_space<vmem_shared>>
      tpu.enqueue_dma source(%dma_start3A_32 : memref<6400x8xf32, #tpu.memory_space<vmem_shared>>) target(%dma_start3A_30 : memref<6400x8xf32, #tpu.memory_space<hbm>>) target_semaphore(%run_scoped3A : memref<!tpu.dma_semaphore, #tpu.memory_space<semaphore_mem>>)
      %dma_wait3A = arith.constant 0 : i32
      %dma_wait3A_33 = tpu.memref_slice %arg5[%arg0, %mul3A_27, %dma_wait3A] : memref<2x102400x8xf32, #tpu.memory_space<hbm>> -> memref<1x6400x8xf32, #tpu.memory_space<hbm>>
      %dma_wait3A_34 = tpu.memref_squeeze %dma_wait3A_33 : memref<1x6400x8xf32, #tpu.memory_space<hbm>> -> memref<6400x8xf32, #tpu.memory_space<hbm>>
      %dma_wait3A_35 = arith.constant 0 : i32
      %dma_wait3A_36 = tpu.memref_slice %arg12[%mul3A_25, %dma_wait3A_35] : memref<102400x8xf32, #tpu.memory_space<vmem_shared>> -> memref<6400x8xf32, #tpu.memory_space<vmem_shared>>
      tpu.wait_dma2 semaphore(%run_scoped3A : memref<!tpu.dma_semaphore, #tpu.memory_space<semaphore_mem>>) src(%dma_wait3A_36 : memref<6400x8xf32, #tpu.memory_space<vmem_shared>>) dst(%dma_wait3A_34 : memref<6400x8xf32, #tpu.memory_space<hbm>>)
      tpu.yield
    }) : () -> ()
    return
  }
}

module attributes {stable_mosaic.version = 14 : i64} {
  func.func @_tc_mid_body(%arg0: i32, %arg1: memref<2x3200x128xf32, #tpu.memory_space<vmem>>, %arg2: memref<3200x128xf32, #tpu.memory_space<vmem>>, %arg3: memref<3200x128xf32, #tpu.memory_space<vmem>>, %arg4: memref<128x256xf32, #tpu.memory_space<vmem>>, %arg5: memref<1x256xf32, #tpu.memory_space<vmem>>, %arg6: memref<256x128xf32, #tpu.memory_space<vmem>>, %arg7: memref<3200x128xf32, #tpu.memory_space<vmem>>) attributes {dimension_semantics = [#tpu.dimension_semantics<arbitrary>], iteration_bounds = array<i64: 2>, scalar_prefetch = 0 : i64, scratch_operands = 0 : i64, tpu.core_type = #tpu.core_type<tc>, window_params = [{transform_indices = @transform_0, window_bounds = array<i64: 2, 3200, 128>}, {transform_indices = @transform_1, window_bounds = array<i64: 3200, 128>}, {transform_indices = @transform_2, window_bounds = array<i64: 3200, 128>}, {pipeline_mode = #tpu.pipeline_mode<synchronous>, transform_indices = @transform_3, window_bounds = array<i64: 128, 256>}, {pipeline_mode = #tpu.pipeline_mode<synchronous>, transform_indices = @transform_4, window_bounds = array<i64: 1, 256>}, {pipeline_mode = #tpu.pipeline_mode<synchronous>, transform_indices = @transform_5, window_bounds = array<i64: 256, 128>}, {transform_indices = @transform_6, window_bounds = array<i64: 3200, 128>}]} {
    %get3A = arith.constant 0 : index
    %get3A_0 = arith.constant 0 : index
    %get3A_1 = vector.load %arg3[%get3A, %get3A_0] : memref<3200x128xf32, #tpu.memory_space<vmem>>, vector<3200x128xf32>
    %get3A_2 = arith.constant 0 : index
    %get3A_3 = arith.constant 0 : index
    %get3A_4 = arith.constant 0 : index
    %get3A_5 = vector.load %arg1[%get3A_2, %get3A_3, %get3A_4] : memref<2x3200x128xf32, #tpu.memory_space<vmem>>, vector<1x3200x128xf32>
    %get3A_6 = vector.shape_cast %get3A_5 : vector<1x3200x128xf32> to vector<3200x128xf32>
    %get3A_7 = arith.constant 1 : index
    %get3A_8 = arith.constant 0 : index
    %get3A_9 = arith.constant 0 : index
    %get3A_10 = vector.load %arg1[%get3A_7, %get3A_8, %get3A_9] : memref<2x3200x128xf32, #tpu.memory_space<vmem>>, vector<1x3200x128xf32>
    %get3A_11 = vector.shape_cast %get3A_10 : vector<1x3200x128xf32> to vector<3200x128xf32>
    %add3A = arith.addf %get3A_6, %get3A_11 : vector<3200x128xf32>
    %get3A_12 = arith.constant 0 : index
    %get3A_13 = arith.constant 0 : index
    %get3A_14 = vector.load %arg2[%get3A_12, %get3A_13] : memref<3200x128xf32, #tpu.memory_space<vmem>>, vector<3200x128xf32>
    %add3A_15 = arith.addf %add3A, %get3A_14 : vector<3200x128xf32>
    %mul3A = arith.mulf %get3A_1, %add3A_15 : vector<3200x128xf32>
    %get3A_16 = arith.constant 0 : index
    %get3A_17 = arith.constant 0 : index
    %get3A_18 = vector.load %arg4[%get3A_16, %get3A_17] : memref<128x256xf32, #tpu.memory_space<vmem>>, vector<128x256xf32>
    %dot_general3A = arith.constant dense<0.000000e+00> : vector<3200x256xf32>
    %dot_general3A_19 = tpu.matmul %mul3A, %get3A_18, %dot_general3A {dimension_numbers = #tpu.dot_dimension_numbers<[1], [0], [0], [1], [0, 0, 1, 1], [], []>, transpose_lhs_hint = false} : vector<3200x128xf32>, vector<128x256xf32>, vector<3200x256xf32> -> vector<3200x256xf32>
    %get3A_20 = arith.constant 0 : index
    %get3A_21 = arith.constant 0 : index
    %get3A_22 = vector.load %arg5[%get3A_20, %get3A_21] : memref<1x256xf32, #tpu.memory_space<vmem>>, vector<1x256xf32>
    %add3A_23 = vector.broadcast %get3A_22 : vector<1x256xf32> to vector<3200x256xf32>
    %add3A_24 = arith.addf %dot_general3A_19, %add3A_23 : vector<3200x256xf32>
    %max3A = arith.constant 0.000000e+00 : f32
    %max3A_25 = vector.broadcast %max3A : f32 to vector<3200x256xf32>
    %max3A_26 = arith.maximumf %add3A_24, %max3A_25 : vector<3200x256xf32>
    %get3A_27 = arith.constant 0 : index
    %get3A_28 = arith.constant 0 : index
    %get3A_29 = vector.load %arg6[%get3A_27, %get3A_28] : memref<256x128xf32, #tpu.memory_space<vmem>>, vector<256x128xf32>
    %dot_general3A_30 = arith.constant dense<0.000000e+00> : vector<3200x128xf32>
    %dot_general3A_31 = tpu.matmul %max3A_26, %get3A_29, %dot_general3A_30 {dimension_numbers = #tpu.dot_dimension_numbers<[1], [0], [0], [1], [0, 0, 1, 1], [], []>, transpose_lhs_hint = false} : vector<3200x256xf32>, vector<256x128xf32>, vector<3200x128xf32> -> vector<3200x128xf32>
    %mul3A_32 = arith.mulf %get3A_1, %dot_general3A_31 : vector<3200x128xf32>
    %swap3A = arith.constant 0 : index
    %swap3A_33 = arith.constant 0 : index
    %swap3A_34 = vector.load %arg7[%swap3A, %swap3A_33] : memref<3200x128xf32, #tpu.memory_space<vmem>>, vector<3200x128xf32>
    tpu.vector_store %arg7[%swap3A, %swap3A_33], %mul3A_32 {strides = array<i32>} : memref<3200x128xf32, #tpu.memory_space<vmem>>, vector<3200x128xf32>,
    return
  }
  func.func @transform_0(%arg0: i32) -> (i32, i32, i32) {
    %c0_i32 = arith.constant 0 : i32
    %c0_i32_0 = arith.constant 0 : i32
    %c0_i32_1 = arith.constant 0 : i32
    return %c0_i32, %arg0, %c0_i32_0 : i32, i32, i32
  }
  func.func @transform_1(%arg0: i32) -> (i32, i32) {
    %c0_i32 = arith.constant 0 : i32
    %c0_i32_0 = arith.constant 0 : i32
    return %arg0, %c0_i32 : i32, i32
  }
  func.func @transform_2(%arg0: i32) -> (i32, i32) {
    %c0_i32 = arith.constant 0 : i32
    %c0_i32_0 = arith.constant 0 : i32
    return %arg0, %c0_i32 : i32, i32
  }
  func.func @transform_3(%arg0: i32) -> (i32, i32) {
    %c0_i32 = arith.constant 0 : i32
    %c0_i32_0 = arith.constant 0 : i32
    %c0_i32_1 = arith.constant 0 : i32
    return %c0_i32, %c0_i32_0 : i32, i32
  }
  func.func @transform_4(%arg0: i32) -> (i32, i32) {
    %c0_i32 = arith.constant 0 : i32
    %c0_i32_0 = arith.constant 0 : i32
    %c0_i32_1 = arith.constant 0 : i32
    return %c0_i32, %c0_i32_0 : i32, i32
  }
  func.func @transform_5(%arg0: i32) -> (i32, i32) {
    %c0_i32 = arith.constant 0 : i32
    %c0_i32_0 = arith.constant 0 : i32
    %c0_i32_1 = arith.constant 0 : i32
    return %c0_i32, %c0_i32_0 : i32, i32
  }
  func.func @transform_6(%arg0: i32) -> (i32, i32) {
    %c0_i32 = arith.constant 0 : i32
    %c0_i32_0 = arith.constant 0 : i32
    return %arg0, %c0_i32 : i32, i32
  }
}

module attributes {stable_mosaic.version = 14 : i64} {
  func.func @_tc_final_body(%arg0: i32, %arg1: memref<2x3200x128xf32, #tpu.memory_space<vmem>>, %arg2: memref<3200x128xf32, #tpu.memory_space<vmem>>, %arg3: memref<3200x128xf32, #tpu.memory_space<vmem>>, %arg4: memref<1x128xf32, #tpu.memory_space<vmem>>, %arg5: memref<128x128xf32, #tpu.memory_space<vmem>>, %arg6: memref<128x128xf32, #tpu.memory_space<vmem>>, %arg7: memref<3200x128xf32, #tpu.memory_space<vmem>>) attributes {dimension_semantics = [#tpu.dimension_semantics<arbitrary>], iteration_bounds = array<i64: 2>, scalar_prefetch = 0 : i64, scratch_operands = 0 : i64, tpu.core_type = #tpu.core_type<tc>, window_params = [{transform_indices = @transform_0, window_bounds = array<i64: 2, 3200, 128>}, {transform_indices = @transform_1, window_bounds = array<i64: 3200, 128>}, {transform_indices = @transform_2, window_bounds = array<i64: 3200, 128>}, {pipeline_mode = #tpu.pipeline_mode<synchronous>, transform_indices = @transform_3, window_bounds = array<i64: 1, 128>}, {pipeline_mode = #tpu.pipeline_mode<synchronous>, transform_indices = @transform_4, window_bounds = array<i64: 128, 128>}, {pipeline_mode = #tpu.pipeline_mode<synchronous>, transform_indices = @transform_5, window_bounds = array<i64: 128, 128>}, {transform_indices = @transform_6, window_bounds = array<i64: 3200, 128>}]} {
    %get3A = arith.constant 0 : index
    %get3A_0 = arith.constant 0 : index
    %get3A_1 = vector.load %arg3[%get3A, %get3A_0] : memref<3200x128xf32, #tpu.memory_space<vmem>>, vector<3200x128xf32>
    %get3A_2 = arith.constant 0 : index
    %get3A_3 = arith.constant 0 : index
    %get3A_4 = arith.constant 0 : index
    %get3A_5 = vector.load %arg1[%get3A_2, %get3A_3, %get3A_4] : memref<2x3200x128xf32, #tpu.memory_space<vmem>>, vector<1x3200x128xf32>
    %get3A_6 = vector.shape_cast %get3A_5 : vector<1x3200x128xf32> to vector<3200x128xf32>
    %get3A_7 = arith.constant 1 : index
    %get3A_8 = arith.constant 0 : index
    %get3A_9 = arith.constant 0 : index
    %get3A_10 = vector.load %arg1[%get3A_7, %get3A_8, %get3A_9] : memref<2x3200x128xf32, #tpu.memory_space<vmem>>, vector<1x3200x128xf32>
    %get3A_11 = vector.shape_cast %get3A_10 : vector<1x3200x128xf32> to vector<3200x128xf32>
    %add3A = arith.addf %get3A_6, %get3A_11 : vector<3200x128xf32>
    %get3A_12 = arith.constant 0 : index
    %get3A_13 = arith.constant 0 : index
    %get3A_14 = vector.load %arg2[%get3A_12, %get3A_13] : memref<3200x128xf32, #tpu.memory_space<vmem>>, vector<3200x128xf32>
    %add3A_15 = arith.addf %add3A, %get3A_14 : vector<3200x128xf32>
    %mul3A = arith.mulf %get3A_1, %add3A_15 : vector<3200x128xf32>
    %get3A_16 = arith.constant 0 : index
    %get3A_17 = arith.constant 0 : index
    %get3A_18 = vector.load %arg4[%get3A_16, %get3A_17] : memref<1x128xf32, #tpu.memory_space<vmem>>, vector<1x128xf32>
    %add3A_19 = vector.broadcast %get3A_18 : vector<1x128xf32> to vector<3200x128xf32>
    %add3A_20 = arith.addf %mul3A, %add3A_19 : vector<3200x128xf32>
    %get3A_21 = arith.constant 0 : index
    %get3A_22 = arith.constant 0 : index
    %get3A_23 = vector.load %arg5[%get3A_21, %get3A_22] : memref<128x128xf32, #tpu.memory_space<vmem>>, vector<128x128xf32>
    %dot_general3A = arith.constant dense<0.000000e+00> : vector<3200x128xf32>
    %dot_general3A_24 = tpu.matmul %add3A_20, %get3A_23, %dot_general3A {dimension_numbers = #tpu.dot_dimension_numbers<[1], [0], [0], [1], [0, 0, 1, 1], [], []>, transpose_lhs_hint = false} : vector<3200x128xf32>, vector<128x128xf32>, vector<3200x128xf32> -> vector<3200x128xf32>
    %sub3A = arith.subf %add3A_20, %dot_general3A_24 : vector<3200x128xf32>
    %exp3A = math.exp %sub3A : vector<3200x128xf32>
    %get3A_25 = arith.constant 0 : index
    %get3A_26 = arith.constant 0 : index
    %get3A_27 = vector.load %arg6[%get3A_25, %get3A_26] : memref<128x128xf32, #tpu.memory_space<vmem>>, vector<128x128xf32>
    %dot_general3A_28 = arith.constant dense<0.000000e+00> : vector<3200x128xf32>
    %dot_general3A_29 = tpu.matmul %exp3A, %get3A_27, %dot_general3A_28 {dimension_numbers = #tpu.dot_dimension_numbers<[1], [0], [0], [1], [0, 0, 1, 1], [], []>, transpose_lhs_hint = false} : vector<3200x128xf32>, vector<128x128xf32>, vector<3200x128xf32> -> vector<3200x128xf32>
    %log3A = math.log %dot_general3A_29 : vector<3200x128xf32>
    %sub3A_30 = arith.subf %sub3A, %log3A : vector<3200x128xf32>
    %swap3A = arith.constant 0 : index
    %swap3A_31 = arith.constant 0 : index
    %swap3A_32 = vector.load %arg7[%swap3A, %swap3A_31] : memref<3200x128xf32, #tpu.memory_space<vmem>>, vector<3200x128xf32>
    tpu.vector_store %arg7[%swap3A, %swap3A_31], %sub3A_30 {strides = array<i32>} : memref<3200x128xf32, #tpu.memory_space<vmem>>, vector<3200x128xf32>,
    return
  }
  func.func @transform_0(%arg0: i32) -> (i32, i32, i32) {
    %c0_i32 = arith.constant 0 : i32
    %c0_i32_0 = arith.constant 0 : i32
    %c0_i32_1 = arith.constant 0 : i32
    return %c0_i32, %arg0, %c0_i32_0 : i32, i32, i32
  }
  func.func @transform_1(%arg0: i32) -> (i32, i32) {
    %c0_i32 = arith.constant 0 : i32
    %c0_i32_0 = arith.constant 0 : i32
    return %arg0, %c0_i32 : i32, i32
  }
  func.func @transform_2(%arg0: i32) -> (i32, i32) {
    %c0_i32 = arith.constant 0 : i32
    %c0_i32_0 = arith.constant 0 : i32
    return %arg0, %c0_i32 : i32, i32
  }
  func.func @transform_3(%arg0: i32) -> (i32, i32) {
    %c0_i32 = arith.constant 0 : i32
    %c0_i32_0 = arith.constant 0 : i32
    %c0_i32_1 = arith.constant 0 : i32
    return %c0_i32, %c0_i32_0 : i32, i32
  }
  func.func @transform_4(%arg0: i32) -> (i32, i32) {
    %c0_i32 = arith.constant 0 : i32
    %c0_i32_0 = arith.constant 0 : i32
    %c0_i32_1 = arith.constant 0 : i32
    return %c0_i32, %c0_i32_0 : i32, i32
  }
  func.func @transform_5(%arg0: i32) -> (i32, i32) {
    %c0_i32 = arith.constant 0 : i32
    %c0_i32_0 = arith.constant 0 : i32
    %c0_i32_1 = arith.constant 0 : i32
    return %c0_i32, %c0_i32_0 : i32, i32
  }
  func.func @transform_6(%arg0: i32) -> (i32, i32) {
    %c0_i32 = arith.constant 0 : i32
    %c0_i32_0 = arith.constant 0 : i32
    return %arg0, %c0_i32 : i32, i32
  }
}

</mosaic_0001>

<sc_bundles>
// kernel: kernel.10.cloned.1.call-start
scs
__scs_entry_jumppad:
0x0: {  	(pc) =	sbr.rel $0x88, $3  }
0x1: {  	(tag) =	ssettag $0x0;
	lr =	simm.s32 $0x1  }
0x2: {  	[smem:$0x3F9B] =	sst lr;
	_ =	strace $0xD0000000  }
0x3: {  	_ = 	snop  }
0x4: {  	_ = 	snop  }
0x5: {  	_ = 	snop  }
0x6: {  	_ = 	snop  }
0x7: {  	_ = 	snop  }
__scs_overlays_trampoline_lowered:
0x8: {  	[smem:$0x3FAA] =	sst s0  }
0x9: {  	[smem:$0x3FAB] =	sst s1  }
0xa: {  	[smem:$0x3FAC] =	sst s2  }
0xb: {  	[smem:$0x3FAD] =	sst s3  }
0xc: {  	[smem:$0x3FAE] =	sst s4  }
0xd: {  	[smem:$0x3FAF] =	sst s5  }
0xe: {  	[smem:$0x3FB0] =	sst s6  }
0xf: {  	[smem:$0x3FB1] =	sst s7  }
0x10: {  	[smem:$0x3FB2] =	sst s8  }
0x11: {  	[smem:$0x3FB3] =	sst s9;
	s0 =	simm.s32 @!p0 $0x0  }
0x12: {  	s1 =	sld [smem:$0x3F99];
	s0 =	simm.s32 @p0 $0x1  }
0x13: {  	[smem:$0x3FB4] =	sst s0;
	s0 =	simm.s32 @!p1 $0x0  }
0x14: {  	s2 =	sld [smem:$0x3F98];
	s0 =	simm.s32 @p1 $0x1  }
0x15: {  	[smem:$0x3FB5] =	sst s0;
	s0 =	simm.s32 @!p2 $0x0  }
0x16: {  	s3 =	sld [smem:$0x3FDB];
	s0 =	simm.s32 @p2 $0x1  }
0x17: {  	s4 =	simm.s32 $0x1BF5;
	[smem:$0x3FB7] =	sst s0  }
0x18: {  	s0 =	sld [smem:$0x3F9A];
	_ =	swait.ge [sflag:s4], $0x0  }
0x19: {  	s7 =	sld [smem:$0x3F9B]  }
0x1a: {  	s8 =	sadd.s32 $0xFFFFE003, lr  }
0x1b: {  	s9 =	sadd.s32 $0xFFFFFEF7, lr;
	s5 =	simm.s32 $0xFFFFFFFF;
	p2 =	slt.u32 s8, $0xFFFFF086  }
0x1c: {  	p1 =	slt.u32 s9, $0xF7A;
	s5 =	simm.s32 @!p2 $0x0  }
0x1d: {  	s5 =	simm.s32 @p1 $0x1;
	p0 =	seq.s32 s7, s2  }
0x1e: {  	s7 =	smul.u32 @!p0 $0xF7A, s2;
	p2 =	seq.s32 @!p0 s5, $0x0  }
0x1f: {  	s9 =	smul.u32 $0xF7A, s1;
	s8 =	simm.s32 @!p0 $0x1BF5;
	p2 =	por !p2, p0  }
0x20: {  	[sflag:s8] =	ssyncset.s32 @!p0 $0xFFFFF086;
	s6 =	sadd.s32 @!p0 s3, s7;
	s7 =	simm.s32 @!p0 $0x108  }
0x21: {  	s3 =	sadd.s32 s3, s9;
	s6 =	sadd.s32 @!p0 $0x88, s6;
	s7 =	simm.s32 @p2 $0x1082  }
0x22: {  	[simem:s7], [sflag:s8] =	dma.local @!p0 [hbm:s6], $0xF7A  }
0x23: {  	s9 =	sor.u32 $0xD0000000, s2;
	s6 =	simm.s32 $0x108;
	_ =	swait.ge @!p0 [sflag:s8], $0x0  }
0x24: {  	s3 =	sadd.s32 $0x88, s3;
	s6 =	simm.s32 @!p1 $0x1082;
	[sflag:s4] =	ssyncset.s32 $0xFFFFF086  }
0x25: {  	[simem:s6], [sflag:s4] =	dma.local [hbm:s3], $0xF7A  }
0x26: {  	[smem:$0x3F9B] =	sst s1;
	(tag) =	ssettag s2;
	_ =	strace s9  }
0x27: {  	s1 =	sld [smem:$0x3FAB]  }
0x28: {  	s2 =	sld [smem:$0x3FAC]  }
0x29: {  	s4 =	sld [smem:$0x3FAE]  }
0x2a: {  	p0 =	seq.s32 s5, $0x0;
	s5 =	sld [smem:$0x3FAF]  }
0x2b: {  	s6 =	sld [smem:$0x3FB0]  }
0x2c: {  	s7 =	sld [smem:$0x3FB1]  }
0x2d: {  	s3 =	simm.s32 $0x108;
	s8 =	sld [smem:$0x3FB2]  }
0x2e: {  	s3 =	simm.s32 @!p0 $0x1082;
	s9 =	sld [smem:$0x3FB3]  }
0x2f: {  	lr =	sadd.s32 s0, s3;
	s0 =	sld [smem:$0x3FAA]  }
0x30: {  	s3 =	sld [smem:$0x3FAD]  }
0x31: {  	[smem:$0x3FB6] =	sst s10  }
0x32: {  	s10 =	sld [smem:$0x3FB4];
	_ =	sdelay $0x3  }
0x33: {  	p0 =	seq.s32 s10, $0x1;
	s10 =	sld [smem:$0x3FB6];
	_ =	sdelay $0x3  }
0x34: {  	[smem:$0x3FB6] =	sst s10  }
0x35: {  	s10 =	sld [smem:$0x3FB5];
	_ =	sdelay $0x3  }
0x36: {  	p1 =	seq.s32 s10, $0x1;
	s10 =	sld [smem:$0x3FB6];
	_ =	sdelay $0x3  }
0x37: {  	[smem:$0x3FB6] =	sst s10  }
0x38: {  	s10 =	sld [smem:$0x3FB7]  }
0x39: {  	_ = 	snop;
	(pc) =	sbr.ind lr, $3  }
0x3a: {  	_ = 	snop  }
0x3b: {  	_ = 	snop  }
0x3c: {  	p2 =	seq.s32 s10, $0x1;
	s10 =	sld [smem:$0x3FB6]  }
0x3d: {  	_ =	shalt  }
0x3e: {  	_ =	shalt  }
0x3f: {  	_ =	shalt  }
0x40: {  	_ =	shalt  }
0x41: {  	_ =	shalt  }
0x42: {  	_ =	shalt  }
0x43: {  	_ =	shalt  }
0x44: {  	_ =	shalt  }
0x45: {  	_ =	shalt  }
0x46: {  	_ =	shalt  }
0x47: {  	_ =	shalt  }
0x48: {  	_ =	shalt  }
0x49: {  	_ =	shalt  }
0x4a: {  	_ =	shalt  }
0x4b: {  	_ =	shalt  }
0x4c: {  	_ =	shalt  }
0x4d: {  	_ =	shalt  }
0x4e: {  	_ =	shalt  }
0x4f: {  	_ =	shalt  }
0x50: {  	_ =	shalt  }
0x51: {  	_ =	shalt  }
0x52: {  	_ =	shalt  }
0x53: {  	_ =	shalt  }
0x54: {  	_ =	shalt  }
0x55: {  	_ =	shalt  }
0x56: {  	_ =	shalt  }
0x57: {  	_ =	shalt  }
0x58: {  	_ =	shalt  }
0x59: {  	_ =	shalt  }
0x5a: {  	_ =	shalt  }
0x5b: {  	_ =	shalt  }
0x5c: {  	_ =	shalt  }
0x5d: {  	_ =	shalt  }
0x5e: {  	_ =	shalt  }
0x5f: {  	_ =	shalt  }
0x60: {  	_ =	shalt  }
0x61: {  	_ =	shalt  }
0x62: {  	_ =	shalt  }
0x63: {  	_ =	shalt  }
0x64: {  	_ =	shalt  }
0x65: {  	_ =	shalt  }
0x66: {  	_ =	shalt  }
0x67: {  	_ =	shalt  }
0x68: {  	_ =	shalt  }
0x69: {  	_ =	shalt  }
0x6a: {  	_ =	shalt  }
0x6b: {  	_ =	shalt  }
0x6c: {  	_ =	shalt  }
0x6d: {  	_ =	shalt  }
0x6e: {  	_ =	shalt  }
0x6f: {  	_ =	shalt  }
0x70: {  	_ =	shalt  }
0x71: {  	_ =	shalt  }
0x72: {  	_ =	shalt  }
0x73: {  	_ =	shalt  }
0x74: {  	_ =	shalt  }
0x75: {  	_ =	shalt  }
0x76: {  	_ =	shalt  }
0x77: {  	_ =	shalt  }
0x78: {  	_ =	shalt  }
0x79: {  	_ =	shalt  }
0x7a: {  	_ =	shalt  }
0x7b: {  	_ =	shalt  }
0x7c: {  	_ =	shalt  }
0x7d: {  	_ =	shalt  }
0x7e: {  	_ =	shalt  }
0x7f: {  	_ =	shalt  }
0x80: {  	_ =	shalt  }
0x81: {  	_ =	shalt  }
0x82: {  	_ =	shalt  }
0x83: {  	_ =	shalt  }
0x84: {  	_ =	shalt  }
0x85: {  	_ =	shalt  }
0x86: {  	_ =	shalt  }
0x87: {  	_ =	shalt  }
.Lfunc_end0:
.L_simem_size_0:
called_computation.1_lowered:
.L_overlay_start_0:
0x88: {  	s2 =	sld [smem:$0x3FD9]  }
0x89: {  	s3 =	sld [smem:$0x3FFE];
	_ =	sdelay $0x1  }
0x8a: {  	s1 =	srdreg.scid  }
0x8b: {  	s0 =	sand.u32 $0x1, s1  }
0x8c: {  	s17 =	sshll.u32 s0, $0xA;
	s2 =	sadd.s32 s3, s2  }
0x8d: {  	s2 =	sadd.s32 s2, s17  }
0x8e: {  	[smem:$0x3FC2] =	sst s2  }
0x8f: {  	_ = 	snop  }
0x90: {  	s2 =	sld [smem:$0x3FD0];
	(tm) =	ssettm $0x1  }
0x91: {  	s18 =	sld [smem:$0x3FFB];
	_ =	sdelay $0x3  }
0x92: {  	_ =	strace s18  }
0x93: {  	s3 =	sld [smem:$0x3FFC];
	_ =	sdelay $0x3  }
0x94: {  	_ =	strace s3  }
0x95: {  	s3 =	sld [smem:$0x3FFD];
	_ =	sdelay $0x3  }
0x96: {  	_ =	strace s3  }
0x97: {  	_ =	strace $0x8FFFFFFF  }
0x98: {  	s19 =	sld [smem:$0x3FDB];
	_ =	sdelay $0x1  }
0x99: {  	s4 =	simm.s32 $_scs_section_size  }
0x9a: {  	s5 =	simm.s32 $_size__tile_overlayer_lowered;
	s6 =	simm.s32 $_tile_overlayer_lowered  }
0x9b: {  	s22 =	simm.s32 $0x1BFF;
	s21 =	sshll.u32 s6, $0x1;
	s3 =	sadd.s32 s4, s19  }
0x9c: {  	s7 =	simm.s32 $0x0;
	s20 =	sshll.u32 s5, $0x1;
	s5 =	sadd.s32 s21, s3  }
0x9d: {  	[timem:s7], [sflag:s22] =	dma.local [hbm:s5], s20  }
0x9e: {  	_ =	swait.ge [sflag:s22], s20  }
0x9f: {  	s4 =	ssub.s32 $0x0, s20;
	[sflag:s22] =	ssyncset.done $0x0  }
0xa0: {  	[sflag:s22] =	ssyncadd.s32 s4;
	_ =	sdelay $0x1  }
0xa1: {  	s23 =	simm.s32 $0x1B8B  }
0xa2: {  	_ =	swait.ge [sflag:s23], $0x1  }
0xa3: {  	[sflag:s23] =	ssyncset.done $0x0  }
0xa4: {  	s25 =	simm.s32 $0x1B8E;
	s24 =	sld [smem:$0x3FFE];
	[sflag:s23] =	ssyncadd.s32 $0xFFFFFFFF  }
0xa5: {  	s26 =	simm.s32 $execute0_lowered;
	[smem:$0x3FD2] =	sst s25  }
0xa6: {  	s5 =	sshll.u32 s26, $0x1;
	_ =	strace $0x80000049;
	[dreg:$0x1] =	wrdreg $0xFFFFFFFF  }
0xa7: {  	s28 =	simm.s32 $_size_execute0_lowered;
	s3 =	sadd.s32 s3, s5;
	[dreg:$0x0] =	wrdreg $0x0  }
0xa8: {  	s5 =	sshll.u32 s28, $0x1;
	[dreg:$0x2] =	wrdreg s3  }
0xa9: {  	[dreg:$0x3] =	wrdreg s5  }
0xaa: {  	[dreg:$0x4] =	wrdreg $0xC0  }
0xab: {  	_ =	task [dreg:s7], $0x5FFFF  }
0xac: {  	[dreg:$0x1] =	wrdreg $0xFFFFFFFF  }
0xad: {  	[dreg:$0x0] =	wrdreg $0x60  }
0xae: {  	[dreg:$0x2] =	wrdreg s24  }
0xaf: {  	[dreg:$0x3] =	wrdreg s2  }
0xb0: {  	[dreg:$0x4] =	wrdreg $0x9C400  }
0xb1: {  	[dreg:$0x5] =	wrdreg $0x9  }
0xb2: {  	_ =	task.clear_ibuf [dreg:s7], $0x6FFFF;
	_ =	strace $0x90000049  }
0xb3: {  	s29 =	simm.s32 $0x9;
	_ =	strace $0x8000004B  }
0xb4: {  	_ =	swait.ge [sflag:s29], $0x1  }
0xb5: {  	[sflag:s29] =	ssyncadd.s32 $0xFFFFFFFF  }
0xb6: {  	_ =	strace $0x9000004B  }
0xb7: {  	_ =	sfence  }
0xb8: {  	s30 =	sld [smem:$0x0];
	_ =	sdelay $0x2  }
0xb9: {  	s31 =	sshll.u32 s1, $0xD;
	s1 =	sshrl.u32 s1, $0x2  }
0xba: {  	s3 =	sand.u32 $0x4000, s31;
	s1 =	sadd.s32 s1, s30  }
0xbb: {  	s0 =	sor.u32 s3, s0;
	s1 =	sshll.u32 s1, $0x11  }
0xbc: {  	s0 =	sor.u32 s1, s0  }
0xbd: {  	s0 =	sadd.s32 $0x8F2B, s0  }
0xbe: {  	[sflag:s0] =	ssyncadd.remote.s32 $0x1  }
0xbf: {  	_ =	sfence.sel $0xFFFF  }
0xc0: {  	[dreg:$0x0] =	wrdreg $0xFFFFFFFF;
	(pc) =	sbr.abs _section_cstart, $3  }
0xc1: {  	[dreg:$0x1] =	wrdreg $0xFFFFFFFF  }
0xc2: {  	_ =	task.clear_ibuf [dreg:s7], $0x2FFFF;
	_ =	strace $0x9FFFFFFF  }
0xc3: {  	(tm) =	ssettm $0x7FFFFFFF  }
tec
execute0_lowered:
.L_overlay_start_1:
0x0: {  	(tag) =	ssettag $0x1  }
0x1: {  	s0 =	rddreg [dreg:$0x0]  }
0x2: {  	s1 =	srdreg.scid;
	s11 =	stileid.u32  }
0x3: {  	s3 =	rddreg [dreg:$0x2];
	s4 =	simm.s32 $0x0;
	s19 =	simm.s32 $0x7  }
0x4: {  	s20 =	simm.s32 $0x7D0;
	s28 =	simm.s32 $0x3;
	s29 =	simm.s32 $0x4  }
0x5: {  	s30 =	simm.s32 $0x5;
	s31 =	simm.s32 $0x6;
	s2 =	smul.u32 $0xC800, s11  }
0x6: {  	s1 =	sand.u32 $0x1, s1;
	[smem:$0x7FF] =	sst s4;
	s12 =	smul.u32 $0x186A0, s11  }
0x7: {  	s22 =	sshll.u32 s11, $0x6;
	s5 =	smul.u32 $0xC8000, s1;
	s6 =	sshll.u32 s1, $0x4  }
0x8: {  	_ =	strace $0x8000004A;
	s9 =	ssub.s32 $0x2, s1;
	s1 =	smul.u32 $0x186A00, s1  }
0x9: {  	s6 =	sor.u32 s11, s6;
	s10 =	sshrl.u32 s9, $0x1;
	s7 =	sadd.s32 s2, s5  }
0xa: {  	s5 =	sadd.s32 $0x2600, s0;
	s8 =	smul.u32 $0x186A0, s6;
	s6 =	sadd.s32 $0xF7E00, s0  }
0xb: {  	s9 =	ssub.s32 s9, s10;
	s1 =	sadd.s32 s12, s1;
	s2 =	sadd.s32 s2, s3  }
0xc: {  	s7 =	sshrl.u32 s7, $0x3;
	s25 =	sadd.s32 $0x30EB70, s1;
	s13 =	smax.u32 s9, $0x1  }
0xd: {  	s26 =	sadd.s32 $0x1770, s1;
	s14 =	sadd.s32 $0x30E3A0, s1;
	s17 =	sadd.s32 $0xFA0, s1  }
0xe: {  	s18 =	sshrl.u32 s2, $0x3;
	s1 =	simm.s32 $0x0;
	s0 =	sadd.s32 s7, s0  }
0xf: {  	s21 =	sshrl.u32 s8, $0x3;
	s8 =	sor.u32 $0x1C07, s22;
	s9 =	sshrl.u32 s26, $0x3  }
0x10: {  	s16 =	sshrl.u32 s14, $0x3;
	s22 =	simm.s32 $0x55F0;
	s26 =	simm.s32 $0x5DC0  }
0x11: {  	s7 =	sadd.s32 s5, s21;
	s12 =	sadd.s32 $0x110E00, s0;
	s0 =	sshrl.u32 s25, $0x3  }
0x12: {  	s15 =	sadd.s32 s9, s5;
	s16 =	sadd.s32 s16, s5;
	s21 =	simm.s32 $0x4E20  }
0x13: {  	s25 =	simm.s32 $0x2;
	s23 =	sadd.s32 $0x61A80, s7;
	s24 =	sadd.s32 $0xFA, s7  }
0x14: {  	s11 =	sadd.s32 $0x61B7A, s7;
	s14 =	sadd.s32 s0, s5;
	[dreg:$0x4] =	wrdreg s23  }
0x15: {  	[dreg:$0x5] =	wrdreg s24;
	s23 =	simm.s32 $0x1;
	s24 =	simm.s32 $0xFA0  }
.LBB2_1:
0x16: {  	s0 =	rddreg [dreg:$0x1]  }
0x17: {  	[spmem:s18], [sflag:s8] =	dma.local [hbm:s0], $0x1900  }
0x18: {  	_ =	swait.ge [sflag:s19], $0x1900  }
0x19: {  	[sflag:s19] =	ssyncset.done $0x0  }
0x1a: {  	[sflag:s19] =	ssyncadd.s32 $0xFFFFE700  }
0x1b: {  	[bflag:$0x0] =	sbarrier.arrive $0xFFFF  }
0x1c: {  	[tilespmem:s4], [sflag:$0x1] =	stream.linear.gather [hbm4b:s7+s4], $0x7D0, $0x38;
	[tilespmem:$0x16440] =	vst v63  }
0x1d: {  	s9 =	rddreg [dreg:$0x4]  }
0x1e: {  	[tilespmem:s20], [sflag:$0x1] =	stream.linear.gather [hbm4b:s9+s4], $0x7D0, $0x38;
	[tilespmem:$0x16440] =	vst v63  }
0x1f: {  	s10 =	rddreg [dreg:$0x5]  }
0x20: {  	[tilespmem:s21], [sflag:$0x2] =	stream.linear.gather [hbm4b:s10+s4], $0x7D0, $0x38;
	[tilespmem:$0x16440] =	vst v63  }
0x21: {  	_ = 	snop  }
0x22: {  	[tilespmem:s22], [sflag:$0x2] =	stream.linear.gather [hbm4b:s11+s4], $0x7D0, $0x38;
	[tilespmem:$0x16440] =	vst v63  }
0x23: {  	_ =	swait.ge [sflag:s23], $0x7D0  }
0x24: {  	[sflag:s23] =	ssyncset.done $0x0  }
0x25: {  	[sflag:s23] =	ssyncadd.s32 $0xFFFFF830  }
0x26: {  	_ =	swait.ge [sflag:s23], $0x7D0  }
0x27: {  	[sflag:s23] =	ssyncset.done $0x0  }
0x28: {  	[sflag:s23] =	ssyncadd.s32 $0xFFFFF830  }
0x29: {  	[tilespmem:s24], [sflag:$0x3] =	stream.indirect.gather [hbm4b:s6+s20], $0x8, s4, s20, $0xb8;
	[tilespmem:$0x16440] =	vst v63  }
0x2a: {  	_ =	swait.ge [sflag:s25], $0x7D0  }
0x2b: {  	[sflag:s25] =	ssyncset.done $0x0  }
0x2c: {  	[sflag:s25] =	ssyncadd.s32 $0xFFFFF830  }
0x2d: {  	_ =	swait.ge [sflag:s25], $0x7D0  }
0x2e: {  	[sflag:s25] =	ssyncset.done $0x0  }
0x2f: {  	[sflag:s25] =	ssyncadd.s32 $0xFFFFF830  }
0x30: {  	[tilespmem:s26], [sflag:$0x4] =	stream.indirect.gather [hbm4b:s6+s20], $0x8, s21, s20, $0xb8;
	[tilespmem:$0x16440] =	vst v63  }
0x31: {  	_ =	swait.ge [sflag:s28], $0x3E80  }
0x32: {  	[sflag:s28] =	ssyncset.done $0x0  }
0x33: {  	[sflag:s28] =	ssyncadd.s32 $0xFFFFC180  }
0x34: {  	[spmem:s3] =	stream.indirect.scatter.add.f32 [tilespmem:s24], [sflag:$0x5], $0x8, s20, s20, $0xb8;
	[tilespmem:$0x16440] =	vst v63  }
0x35: {  	_ =	swait.ge [sflag:s29], $0x3E80  }
0x36: {  	[sflag:s29] =	ssyncset.done $0x0  }
0x37: {  	[sflag:s29] =	ssyncadd.s32 $0xFFFFC180  }
0x38: {  	[spmem:s3] =	stream.indirect.scatter.add.f32 [tilespmem:s26], [sflag:$0x6], $0x8, s22, s20, $0xb8;
	[tilespmem:$0x16440] =	vst v63  }
0x39: {  	_ =	swait.ge [sflag:s30], $0x3E80  }
0x3a: {  	s2 =	sshrl.u32 s17, $0x3;
	[sflag:s30] =	ssyncset.done $0x0  }
0x3b: {  	s0 =	sadd.s32 s5, s2;
	[sflag:s30] =	ssyncadd.s32 $0xFFFFC180  }
0x3c: {  	[tilespmem:s4], [sflag:$0x1] =	stream.linear.gather [hbm4b:s0+s4], $0x7D0, $0x38;
	[tilespmem:$0x16440] =	vst v63  }
0x3d: {  	s9 =	sadd.s32 $0x0, s16  }
0x3e: {  	[tilespmem:s20], [sflag:$0x1] =	stream.linear.gather [hbm4b:s9+s4], $0x7D0, $0x38;
	[tilespmem:$0x16440] =	vst v63  }
0x3f: {  	_ =	swait.ge [sflag:s31], $0x3E80  }
0x40: {  	s2 =	sadd.s32 $0xFA0, s17;
	s10 =	sadd.s32 $0x0, s15;
	[sflag:s31] =	ssyncset.done $0x0  }
0x41: {  	s0 =	simm.s32 $0x1F4;
	s9 =	sadd.s32 $0x0, s14;
	[sflag:s31] =	ssyncadd.s32 $0xFFFFC180  }
0x42: {  	[tilespmem:s21], [sflag:$0x2] =	stream.linear.gather [hbm4b:s10+s4], $0x7D0, $0x38;
	[tilespmem:$0x16440] =	vst v63  }
.LBB2_2:
0x43: {  	[tilespmem:s22], [sflag:$0x2] =	stream.linear.gather [hbm4b:s9+s4], $0x7D0, $0x38;
	[tilespmem:$0x16440] =	vst v63  }
0x44: {  	s9 =	smov.u32 s0  }
0x45: {  	p0 =	sne.s32 s0, $0x2CEC;
	s0 =	sadd.s32 $0x1F4, s0;
	_ =	swait.ge [sflag:s23], $0x7D0  }
0x46: {  	[sflag:s23] =	ssyncset.done $0x0  }
0x47: {  	[sflag:s23] =	ssyncadd.s32 $0xFFFFF830  }
0x48: {  	_ =	swait.ge [sflag:s23], $0x7D0  }
0x49: {  	[sflag:s23] =	ssyncset.done $0x0  }
0x4a: {  	[sflag:s23] =	ssyncadd.s32 $0xFFFFF830  }
0x4b: {  	[tilespmem:s24], [sflag:$0x3] =	stream.indirect.gather [hbm4b:s6+s20], $0x8, s4, s20, $0xb8;
	[tilespmem:$0x16440] =	vst v63  }
0x4c: {  	_ =	swait.ge [sflag:s25], $0x7D0  }
0x4d: {  	[sflag:s25] =	ssyncset.done $0x0  }
0x4e: {  	[sflag:s25] =	ssyncadd.s32 $0xFFFFF830  }
0x4f: {  	_ =	swait.ge [sflag:s25], $0x7D0  }
0x50: {  	[sflag:s25] =	ssyncset.done $0x0  }
0x51: {  	[sflag:s25] =	ssyncadd.s32 $0xFFFFF830  }
0x52: {  	[tilespmem:s26], [sflag:$0x4] =	stream.indirect.gather [hbm4b:s6+s20], $0x8, s21, s20, $0xb8;
	[tilespmem:$0x16440] =	vst v63  }
0x53: {  	_ =	swait.ge [sflag:s28], $0x3E80  }
0x54: {  	[sflag:s28] =	ssyncset.done $0x0  }
0x55: {  	[sflag:s28] =	ssyncadd.s32 $0xFFFFC180  }
0x56: {  	[spmem:s3] =	stream.indirect.scatter.add.f32 [tilespmem:s24], [sflag:$0x5], $0x8, s20, s20, $0xb8;
	[tilespmem:$0x16440] =	vst v63  }
0x57: {  	_ =	swait.ge [sflag:s29], $0x3E80  }
0x58: {  	[sflag:s29] =	ssyncset.done $0x0  }
0x59: {  	[sflag:s29] =	ssyncadd.s32 $0xFFFFC180  }
0x5a: {  	[spmem:s3] =	stream.indirect.scatter.add.f32 [tilespmem:s26], [sflag:$0x6], $0x8, s22, s20, $0xb8;
	[tilespmem:$0x16440] =	vst v63  }
0x5b: {  	_ =	swait.ge [sflag:s30], $0x3E80  }
0x5c: {  	s10 =	sshrl.u32 s2, $0x3;
	[sflag:s30] =	ssyncset.done $0x0  }
0x5d: {  	s10 =	sadd.s32 s5, s10;
	[sflag:s30] =	ssyncadd.s32 $0xFFFFC180  }
0x5e: {  	[tilespmem:s4], [sflag:$0x1] =	stream.linear.gather [hbm4b:s10+s4], $0x7D0, $0x38;
	[tilespmem:$0x16440] =	vst v63  }
0x5f: {  	s10 =	sadd.s32 s9, s16  }
0x60: {  	[tilespmem:s20], [sflag:$0x1] =	stream.linear.gather [hbm4b:s10+s4], $0x7D0, $0x38;
	[tilespmem:$0x16440] =	vst v63  }
.Ltmp0:
0x61: {  	_ =	swait.ge [sflag:s31], $0x3E80;
	(pc) =	sbr.rel @p0 .LBB2_2-.Ltmp0, $4  }
0x62: {  	[sflag:s31] =	ssyncset.done $0x0  }
0x63: {  	s10 =	sadd.s32 s9, s15;
	[sflag:s31] =	ssyncadd.s32 $0xFFFFC180  }
0x64: {  	[tilespmem:s21], [sflag:$0x2] =	stream.linear.gather [hbm4b:s10+s4], $0x7D0, $0x38;
	[tilespmem:$0x16440] =	vst v63  }
0x65: {  	s2 =	sadd.s32 $0xFA0, s2;
	s9 =	sadd.s32 s9, s14  }
0x66: {  	[tilespmem:s22], [sflag:$0x2] =	stream.linear.gather [hbm4b:s9+s4], $0x7D0, $0x38;
	[tilespmem:$0x16440] =	vst v63  }
0x67: {  	_ =	swait.ge [sflag:s23], $0x7D0  }
0x68: {  	[sflag:s23] =	ssyncset.done $0x0  }
0x69: {  	[sflag:s23] =	ssyncadd.s32 $0xFFFFF830  }
0x6a: {  	_ =	swait.ge [sflag:s23], $0x7D0  }
0x6b: {  	[sflag:s23] =	ssyncset.done $0x0  }
0x6c: {  	[sflag:s23] =	ssyncadd.s32 $0xFFFFF830  }
0x6d: {  	[tilespmem:s24], [sflag:$0x3] =	stream.indirect.gather [hbm4b:s6+s20], $0x8, s4, s20, $0xb8;
	[tilespmem:$0x16440] =	vst v63  }
0x6e: {  	_ =	swait.ge [sflag:s25], $0x7D0  }
0x6f: {  	[sflag:s25] =	ssyncset.done $0x0  }
0x70: {  	[sflag:s25] =	ssyncadd.s32 $0xFFFFF830  }
0x71: {  	_ =	swait.ge [sflag:s25], $0x7D0  }
0x72: {  	[sflag:s25] =	ssyncset.done $0x0  }
0x73: {  	[sflag:s25] =	ssyncadd.s32 $0xFFFFF830  }
0x74: {  	[tilespmem:s26], [sflag:$0x4] =	stream.indirect.gather [hbm4b:s6+s20], $0x8, s21, s20, $0xb8;
	[tilespmem:$0x16440] =	vst v63  }
0x75: {  	_ =	swait.ge [sflag:s28], $0x3E80  }
0x76: {  	[sflag:s28] =	ssyncset.done $0x0  }
0x77: {  	[sflag:s28] =	ssyncadd.s32 $0xFFFFC180  }
0x78: {  	[spmem:s3] =	stream.indirect.scatter.add.f32 [tilespmem:s24], [sflag:$0x5], $0x8, s20, s20, $0xb8;
	[tilespmem:$0x16440] =	vst v63  }
0x79: {  	_ =	swait.ge [sflag:s29], $0x3E80  }
0x7a: {  	[sflag:s29] =	ssyncset.done $0x0  }
0x7b: {  	[sflag:s29] =	ssyncadd.s32 $0xFFFFC180  }
0x7c: {  	[spmem:s3] =	stream.indirect.scatter.add.f32 [tilespmem:s26], [sflag:$0x6], $0x8, s22, s20, $0xb8;
	[tilespmem:$0x16440] =	vst v63  }
0x7d: {  	_ =	swait.ge [sflag:s30], $0x3E80  }
0x7e: {  	[sflag:s30] =	ssyncset.done $0x0  }
0x7f: {  	[sflag:s30] =	ssyncadd.s32 $0xFFFFC180  }
0x80: {  	_ =	swait.ge [sflag:s31], $0x3E80  }
0x81: {  	s1 =	sadd.s32 $0x1, s1;
	[sflag:s31] =	ssyncset.done $0x0  }
0x82: {  	p0 =	sne.s32 s1, s13;
	[sflag:s31] =	ssyncadd.s32 $0xFFFFC180  }
.Ltmp1:
0x83: {  	[bflag:$0x0] =	sbarrier.arrive $0xFFFF;
	(pc) =	sbr.rel @p0 .LBB2_1-.Ltmp1, $4  }
0x84: {  	[hbm:s12], [sflag:s8] =	dma.local [spmem:s18], $0x1900  }
0x85: {  	_ =	swait.ge [sflag:s19], $0x1900  }
0x86: {  	[sflag:s19] =	ssyncset.done $0x0  }
0x87: {  	[sflag:s19] =	ssyncadd.s32 $0xFFFFE700  }
0x88: {  	_ =	sfence.sel $0x180000  }
0x89: {  	[bflag:$0x0] =	sbarrier.arrive $0xFFFF  }
0x8a: {  	_ =	strace $0x9000004A  }
0x8b: {  	s0 =	stileid.u32;
	[bflag:$0x2] =	sbarrier.arrive $0xFFFF  }
0x8c: {  	p0 =	sne.s32 s0, $0x0;
	s0 =	rddreg [dreg:$0x3]  }
0x8d: {  	s0 =	sadd.s32 @!p0 $0x100000, s0  }
0x8e: {  	[sflag:s0] =	ssyncadd.tile.s32 @!p0 $0x1;
	_ =	shalt  }
.Lfunc_end2:
_tile_overlayer_lowered:
.L_overlay_start_2:
0x8f: {  	(tag) =	ssettag $0x2  }
0x90: {  	s0 =	rddreg [dreg:$0x0];
	s2 =	stileid.u32  }
0x91: {  	s1 =	rddreg [dreg:$0x1];
	p0 =	sne.s32 s2, $0x0  }
0x92: {  	s3 =	rddreg [dreg:$0x2];
	[bflag:$0x3] =	sbarrier.arrive $0xFFFF;
	s2 =	simm.s32 @!p0 $0x1C07  }
0x93: {  	[timem:s3], [sflag:s2] =	dma.local @!p0 [hbm:s0], s1  }
0x94: {  	s0 =	simm.s32 @!p0 $0x7  }
0x95: {  	_ =	swait.ge @!p0 [sflag:s0], s1  }
0x96: {  	s1 =	ssub.s32 @!p0 $0x0, s1;
	[sflag:s0] =	ssyncset.done @!p0 $0x0  }
0x97: {  	[sflag:s0] =	ssyncadd.s32 @!p0 s1  }
0x98: {  	[bflag:$0x3] =	sbarrier.arrive $0xFFFF  }
0x99: {  	_ =	shalt  }

// kernel: kernel.13.cloned.1.call-start
scs
__scs_entry_jumppad:
0x0: {  	(pc) =	sbr.rel $0x88, $3  }
0x1: {  	(tag) =	ssettag $0x0;
	lr =	simm.s32 $0x1  }
0x2: {  	[smem:$0x3F9B] =	sst lr;
	_ =	strace $0xD0000000  }
0x3: {  	_ = 	snop  }
0x4: {  	_ = 	snop  }
0x5: {  	_ = 	snop  }
0x6: {  	_ = 	snop  }
0x7: {  	_ = 	snop  }
__scs_overlays_trampoline_lowered:
0x8: {  	[smem:$0x3FAA] =	sst s0  }
0x9: {  	[smem:$0x3FAB] =	sst s1  }
0xa: {  	[smem:$0x3FAC] =	sst s2  }
0xb: {  	[smem:$0x3FAD] =	sst s3  }
0xc: {  	[smem:$0x3FAE] =	sst s4  }
0xd: {  	[smem:$0x3FAF] =	sst s5  }
0xe: {  	[smem:$0x3FB0] =	sst s6  }
0xf: {  	[smem:$0x3FB1] =	sst s7  }
0x10: {  	[smem:$0x3FB2] =	sst s8  }
0x11: {  	[smem:$0x3FB3] =	sst s9;
	s0 =	simm.s32 @!p0 $0x0  }
0x12: {  	s1 =	sld [smem:$0x3F99];
	s0 =	simm.s32 @p0 $0x1  }
0x13: {  	[smem:$0x3FB4] =	sst s0;
	s0 =	simm.s32 @!p1 $0x0  }
0x14: {  	s2 =	sld [smem:$0x3F98];
	s0 =	simm.s32 @p1 $0x1  }
0x15: {  	[smem:$0x3FB5] =	sst s0;
	s0 =	simm.s32 @!p2 $0x0  }
0x16: {  	s3 =	sld [smem:$0x3FDB];
	s0 =	simm.s32 @p2 $0x1  }
0x17: {  	s4 =	simm.s32 $0x1BF5;
	[smem:$0x3FB7] =	sst s0  }
0x18: {  	s0 =	sld [smem:$0x3F9A];
	_ =	swait.ge [sflag:s4], $0x0  }
0x19: {  	s7 =	sld [smem:$0x3F9B]  }
0x1a: {  	s8 =	sadd.s32 $0xFFFFE003, lr  }
0x1b: {  	s9 =	sadd.s32 $0xFFFFFEF7, lr;
	s5 =	simm.s32 $0xFFFFFFFF;
	p2 =	slt.u32 s8, $0xFFFFF086  }
0x1c: {  	p1 =	slt.u32 s9, $0xF7A;
	s5 =	simm.s32 @!p2 $0x0  }
0x1d: {  	s5 =	simm.s32 @p1 $0x1;
	p0 =	seq.s32 s7, s2  }
0x1e: {  	s7 =	smul.u32 @!p0 $0xF7A, s2;
	p2 =	seq.s32 @!p0 s5, $0x0  }
0x1f: {  	s9 =	smul.u32 $0xF7A, s1;
	s8 =	simm.s32 @!p0 $0x1BF5;
	p2 =	por !p2, p0  }
0x20: {  	[sflag:s8] =	ssyncset.s32 @!p0 $0xFFFFF086;
	s6 =	sadd.s32 @!p0 s3, s7;
	s7 =	simm.s32 @!p0 $0x108  }
0x21: {  	s3 =	sadd.s32 s3, s9;
	s6 =	sadd.s32 @!p0 $0x88, s6;
	s7 =	simm.s32 @p2 $0x1082  }
0x22: {  	[simem:s7], [sflag:s8] =	dma.local @!p0 [hbm:s6], $0xF7A  }
0x23: {  	s9 =	sor.u32 $0xD0000000, s2;
	s6 =	simm.s32 $0x108;
	_ =	swait.ge @!p0 [sflag:s8], $0x0  }
0x24: {  	s3 =	sadd.s32 $0x88, s3;
	s6 =	simm.s32 @!p1 $0x1082;
	[sflag:s4] =	ssyncset.s32 $0xFFFFF086  }
0x25: {  	[simem:s6], [sflag:s4] =	dma.local [hbm:s3], $0xF7A  }
0x26: {  	[smem:$0x3F9B] =	sst s1;
	(tag) =	ssettag s2;
	_ =	strace s9  }
0x27: {  	s1 =	sld [smem:$0x3FAB]  }
0x28: {  	s2 =	sld [smem:$0x3FAC]  }
0x29: {  	s4 =	sld [smem:$0x3FAE]  }
0x2a: {  	p0 =	seq.s32 s5, $0x0;
	s5 =	sld [smem:$0x3FAF]  }
0x2b: {  	s6 =	sld [smem:$0x3FB0]  }
0x2c: {  	s7 =	sld [smem:$0x3FB1]  }
0x2d: {  	s3 =	simm.s32 $0x108;
	s8 =	sld [smem:$0x3FB2]  }
0x2e: {  	s3 =	simm.s32 @!p0 $0x1082;
	s9 =	sld [smem:$0x3FB3]  }
0x2f: {  	lr =	sadd.s32 s0, s3;
	s0 =	sld [smem:$0x3FAA]  }
0x30: {  	s3 =	sld [smem:$0x3FAD]  }
0x31: {  	[smem:$0x3FB6] =	sst s10  }
0x32: {  	s10 =	sld [smem:$0x3FB4];
	_ =	sdelay $0x3  }
0x33: {  	p0 =	seq.s32 s10, $0x1;
	s10 =	sld [smem:$0x3FB6];
	_ =	sdelay $0x3  }
0x34: {  	[smem:$0x3FB6] =	sst s10  }
0x35: {  	s10 =	sld [smem:$0x3FB5];
	_ =	sdelay $0x3  }
0x36: {  	p1 =	seq.s32 s10, $0x1;
	s10 =	sld [smem:$0x3FB6];
	_ =	sdelay $0x3  }
0x37: {  	[smem:$0x3FB6] =	sst s10  }
0x38: {  	s10 =	sld [smem:$0x3FB7]  }
0x39: {  	_ = 	snop;
	(pc) =	sbr.ind lr, $3  }
0x3a: {  	_ = 	snop  }
0x3b: {  	_ = 	snop  }
0x3c: {  	p2 =	seq.s32 s10, $0x1;
	s10 =	sld [smem:$0x3FB6]  }
0x3d: {  	_ =	shalt  }
0x3e: {  	_ =	shalt  }
0x3f: {  	_ =	shalt  }
0x40: {  	_ =	shalt  }
0x41: {  	_ =	shalt  }
0x42: {  	_ =	shalt  }
0x43: {  	_ =	shalt  }
0x44: {  	_ =	shalt  }
0x45: {  	_ =	shalt  }
0x46: {  	_ =	shalt  }
0x47: {  	_ =	shalt  }
0x48: {  	_ =	shalt  }
0x49: {  	_ =	shalt  }
0x4a: {  	_ =	shalt  }
0x4b: {  	_ =	shalt  }
0x4c: {  	_ =	shalt  }
0x4d: {  	_ =	shalt  }
0x4e: {  	_ =	shalt  }
0x4f: {  	_ =	shalt  }
0x50: {  	_ =	shalt  }
0x51: {  	_ =	shalt  }
0x52: {  	_ =	shalt  }
0x53: {  	_ =	shalt  }
0x54: {  	_ =	shalt  }
0x55: {  	_ =	shalt  }
0x56: {  	_ =	shalt  }
0x57: {  	_ =	shalt  }
0x58: {  	_ =	shalt  }
0x59: {  	_ =	shalt  }
0x5a: {  	_ =	shalt  }
0x5b: {  	_ =	shalt  }
0x5c: {  	_ =	shalt  }
0x5d: {  	_ =	shalt  }
0x5e: {  	_ =	shalt  }
0x5f: {  	_ =	shalt  }
0x60: {  	_ =	shalt  }
0x61: {  	_ =	shalt  }
0x62: {  	_ =	shalt  }
0x63: {  	_ =	shalt  }
0x64: {  	_ =	shalt  }
0x65: {  	_ =	shalt  }
0x66: {  	_ =	shalt  }
0x67: {  	_ =	shalt  }
0x68: {  	_ =	shalt  }
0x69: {  	_ =	shalt  }
0x6a: {  	_ =	shalt  }
0x6b: {  	_ =	shalt  }
0x6c: {  	_ =	shalt  }
0x6d: {  	_ =	shalt  }
0x6e: {  	_ =	shalt  }
0x6f: {  	_ =	shalt  }
0x70: {  	_ =	shalt  }
0x71: {  	_ =	shalt  }
0x72: {  	_ =	shalt  }
0x73: {  	_ =	shalt  }
0x74: {  	_ =	shalt  }
0x75: {  	_ =	shalt  }
0x76: {  	_ =	shalt  }
0x77: {  	_ =	shalt  }
0x78: {  	_ =	shalt  }
0x79: {  	_ =	shalt  }
0x7a: {  	_ =	shalt  }
0x7b: {  	_ =	shalt  }
0x7c: {  	_ =	shalt  }
0x7d: {  	_ =	shalt  }
0x7e: {  	_ =	shalt  }
0x7f: {  	_ =	shalt  }
0x80: {  	_ =	shalt  }
0x81: {  	_ =	shalt  }
0x82: {  	_ =	shalt  }
0x83: {  	_ =	shalt  }
0x84: {  	_ =	shalt  }
0x85: {  	_ =	shalt  }
0x86: {  	_ =	shalt  }
0x87: {  	_ =	shalt  }
.Lfunc_end0:
.L_simem_size_0:
called_computation.2_lowered:
.L_overlay_start_0:
0x88: {  	s2 =	sld [smem:$0x3FD9]  }
0x89: {  	s3 =	sld [smem:$0x3FFE];
	_ =	sdelay $0x1  }
0x8a: {  	s1 =	srdreg.scid  }
0x8b: {  	s0 =	sand.u32 $0x1, s1  }
0x8c: {  	s17 =	sshll.u32 s0, $0xA;
	s2 =	sadd.s32 s3, s2  }
0x8d: {  	s2 =	sadd.s32 s2, s17  }
0x8e: {  	[smem:$0x3FC2] =	sst s2  }
0x8f: {  	_ = 	snop  }
0x90: {  	s2 =	sld [smem:$0x3FD0];
	(tm) =	ssettm $0x1  }
0x91: {  	s18 =	sld [smem:$0x3FFB];
	_ =	sdelay $0x3  }
0x92: {  	_ =	strace s18  }
0x93: {  	s3 =	sld [smem:$0x3FFC];
	_ =	sdelay $0x3  }
0x94: {  	_ =	strace s3  }
0x95: {  	s3 =	sld [smem:$0x3FFD];
	_ =	sdelay $0x3  }
0x96: {  	_ =	strace s3  }
0x97: {  	_ =	strace $0x8FFFFFFF  }
0x98: {  	s19 =	sld [smem:$0x3FDB];
	_ =	sdelay $0x1  }
0x99: {  	s4 =	simm.s32 $_scs_section_size  }
0x9a: {  	s5 =	simm.s32 $_size__tile_overlayer_lowered;
	s6 =	simm.s32 $_tile_overlayer_lowered  }
0x9b: {  	s22 =	simm.s32 $0x1BFF;
	s21 =	sshll.u32 s6, $0x1;
	s3 =	sadd.s32 s4, s19  }
0x9c: {  	s7 =	simm.s32 $0x0;
	s20 =	sshll.u32 s5, $0x1;
	s5 =	sadd.s32 s21, s3  }
0x9d: {  	[timem:s7], [sflag:s22] =	dma.local [hbm:s5], s20  }
0x9e: {  	_ =	swait.ge [sflag:s22], s20  }
0x9f: {  	s4 =	ssub.s32 $0x0, s20;
	[sflag:s22] =	ssyncset.done $0x0  }
0xa0: {  	[sflag:s22] =	ssyncadd.s32 s4;
	_ =	sdelay $0x1  }
0xa1: {  	s23 =	simm.s32 $0x1B8B  }
0xa2: {  	_ =	swait.ge [sflag:s23], $0x1  }
0xa3: {  	[sflag:s23] =	ssyncset.done $0x0  }
0xa4: {  	s25 =	simm.s32 $0x1B8E;
	s24 =	sld [smem:$0x3FFE];
	[sflag:s23] =	ssyncadd.s32 $0xFFFFFFFF  }
0xa5: {  	s26 =	simm.s32 $execute0_lowered;
	[smem:$0x3FD2] =	sst s25  }
0xa6: {  	s5 =	sshll.u32 s26, $0x1;
	_ =	strace $0x8000004C;
	[dreg:$0x1] =	wrdreg $0xFFFFFFFF  }
0xa7: {  	s28 =	simm.s32 $_size_execute0_lowered;
	s3 =	sadd.s32 s3, s5;
	[dreg:$0x0] =	wrdreg $0x0  }
0xa8: {  	s5 =	sshll.u32 s28, $0x1;
	[dreg:$0x2] =	wrdreg s3  }
0xa9: {  	[dreg:$0x3] =	wrdreg s5  }
0xaa: {  	[dreg:$0x4] =	wrdreg $0xC0  }
0xab: {  	_ =	task [dreg:s7], $0x5FFFF  }
0xac: {  	[dreg:$0x1] =	wrdreg $0xFFFFFFFF  }
0xad: {  	[dreg:$0x0] =	wrdreg $0x60  }
0xae: {  	[dreg:$0x2] =	wrdreg s24  }
0xaf: {  	[dreg:$0x3] =	wrdreg s2  }
0xb0: {  	[dreg:$0x4] =	wrdreg $0x9C400  }
0xb1: {  	[dreg:$0x5] =	wrdreg $0x9  }
0xb2: {  	_ =	task.clear_ibuf [dreg:s7], $0x6FFFF;
	_ =	strace $0x9000004C  }
0xb3: {  	s29 =	simm.s32 $0x9;
	_ =	strace $0x8000004E  }
0xb4: {  	_ =	swait.ge [sflag:s29], $0x1  }
0xb5: {  	[sflag:s29] =	ssyncadd.s32 $0xFFFFFFFF  }
0xb6: {  	_ =	strace $0x9000004E  }
0xb7: {  	_ =	sfence  }
0xb8: {  	s30 =	sld [smem:$0x0];
	_ =	sdelay $0x2  }
0xb9: {  	s31 =	sshll.u32 s1, $0xD;
	s1 =	sshrl.u32 s1, $0x2  }
0xba: {  	s3 =	sand.u32 $0x4000, s31;
	s1 =	sadd.s32 s1, s30  }
0xbb: {  	s0 =	sor.u32 s3, s0;
	s1 =	sshll.u32 s1, $0x11  }
0xbc: {  	s0 =	sor.u32 s1, s0  }
0xbd: {  	s0 =	sadd.s32 $0x8F2B, s0  }
0xbe: {  	[sflag:s0] =	ssyncadd.remote.s32 $0x1  }
0xbf: {  	_ =	sfence.sel $0xFFFF  }
0xc0: {  	[dreg:$0x0] =	wrdreg $0xFFFFFFFF;
	(pc) =	sbr.abs _section_cstart, $3  }
0xc1: {  	[dreg:$0x1] =	wrdreg $0xFFFFFFFF  }
0xc2: {  	_ =	task.clear_ibuf [dreg:s7], $0x2FFFF;
	_ =	strace $0x9FFFFFFF  }
0xc3: {  	(tm) =	ssettm $0x7FFFFFFF  }
tec
execute0_lowered:
.L_overlay_start_1:
0x0: {  	(tag) =	ssettag $0x1  }
0x1: {  	s0 =	rddreg [dreg:$0x0]  }
0x2: {  	s3 =	rddreg [dreg:$0x2];
	s4 =	simm.s32 $0x0  }
0x3: {  	s1 =	srdreg.scid;
	s11 =	stileid.u32;
	s19 =	simm.s32 $0x7  }
0x4: {  	s20 =	simm.s32 $0x7D0;
	s21 =	simm.s32 $0x4E20;
	s28 =	simm.s32 $0x3  }
0x5: {  	s29 =	simm.s32 $0x4;
	s30 =	simm.s32 $0x5;
	s31 =	simm.s32 $0x6  }
0x6: {  	[smem:$0x7FF] =	sst s4;
	s1 =	sand.u32 $0x1, s1;
	s2 =	smul.u32 $0xC800, s11  }
0x7: {  	s5 =	sadd.s32 $0x2600, s0;
	s6 =	sadd.s32 $0xC5C00, s0;
	s22 =	sshll.u32 s11, $0x6  }
0x8: {  	_ =	strace $0x8000004D;
	s7 =	smul.u32 $0xC8000, s1;
	s8 =	sshll.u32 s1, $0x4  }
0x9: {  	s9 =	ssub.s32 $0x2, s1;
	s1 =	smul.u32 $0x186A00, s1;
	s8 =	sor.u32 s11, s8  }
0xa: {  	s10 =	sshrl.u32 s9, $0x1;
	s11 =	smul.u32 $0x186A0, s11;
	s7 =	sadd.s32 s2, s7  }
0xb: {  	s8 =	smul.u32 $0x186A0, s8;
	s9 =	ssub.s32 s9, s10;
	s2 =	sadd.s32 s2, s3  }
0xc: {  	s7 =	sshrl.u32 s7, $0x3;
	s1 =	sadd.s32 s11, s1;
	s13 =	smax.u32 s9, $0x1  }
0xd: {  	s18 =	sshrl.u32 s2, $0x3;
	s0 =	sadd.s32 s7, s0;
	s8 =	sshrl.u32 s8, $0x3  }
0xe: {  	s7 =	sor.u32 $0x1C07, s22;
	s25 =	sadd.s32 $0x30EB70, s1;
	s26 =	sadd.s32 $0x1770, s1  }
0xf: {  	s14 =	sadd.s32 $0x30E3A0, s1;
	s17 =	sadd.s32 $0xFA0, s1;
	s22 =	simm.s32 $0x55F0  }
0x10: {  	s8 =	sadd.s32 s5, s8;
	s12 =	sadd.s32 $0xDEC00, s0;
	s0 =	sshrl.u32 s25, $0x3  }
0x11: {  	s9 =	sshrl.u32 s26, $0x3;
	s16 =	sshrl.u32 s14, $0x3;
	s25 =	simm.s32 $0x2  }
0x12: {  	s26 =	simm.s32 $0x5DC0;
	s23 =	sadd.s32 $0x61A80, s8;
	s24 =	sadd.s32 $0xFA, s8  }
0x13: {  	s11 =	sadd.s32 $0x61B7A, s8;
	s14 =	sadd.s32 s0, s5;
	s15 =	sadd.s32 s9, s5  }
0x14: {  	s16 =	sadd.s32 s16, s5;
	s0 =	simm.s32 $0x0;
	[dreg:$0x4] =	wrdreg s23  }
0x15: {  	[dreg:$0x5] =	wrdreg s24;
	s23 =	simm.s32 $0x1;
	s24 =	simm.s32 $0xFA0  }
.LBB2_1:
0x16: {  	s1 =	rddreg [dreg:$0x1]  }
0x17: {  	[spmem:s18], [sflag:s7] =	dma.local [hbm:s1], $0x1900  }
0x18: {  	_ =	swait.ge [sflag:s19], $0x1900  }
0x19: {  	[sflag:s19] =	ssyncset.done $0x0  }
0x1a: {  	[sflag:s19] =	ssyncadd.s32 $0xFFFFE700  }
0x1b: {  	[bflag:$0x0] =	sbarrier.arrive $0xFFFF  }
0x1c: {  	[tilespmem:s4], [sflag:$0x1] =	stream.linear.gather [hbm4b:s8+s4], $0x7D0, $0x38;
	[tilespmem:$0x16440] =	vst v63  }
0x1d: {  	s9 =	rddreg [dreg:$0x4]  }
0x1e: {  	[tilespmem:s20], [sflag:$0x1] =	stream.linear.gather [hbm4b:s9+s4], $0x7D0, $0x38;
	[tilespmem:$0x16440] =	vst v63  }
0x1f: {  	s10 =	rddreg [dreg:$0x5]  }
0x20: {  	[tilespmem:s21], [sflag:$0x2] =	stream.linear.gather [hbm4b:s10+s4], $0x7D0, $0x38;
	[tilespmem:$0x16440] =	vst v63  }
0x21: {  	_ = 	snop  }
0x22: {  	[tilespmem:s22], [sflag:$0x2] =	stream.linear.gather [hbm4b:s11+s4], $0x7D0, $0x38;
	[tilespmem:$0x16440] =	vst v63  }
0x23: {  	_ =	swait.ge [sflag:s23], $0x7D0  }
0x24: {  	[sflag:s23] =	ssyncset.done $0x0  }
0x25: {  	[sflag:s23] =	ssyncadd.s32 $0xFFFFF830  }
0x26: {  	_ =	swait.ge [sflag:s23], $0x7D0  }
0x27: {  	[sflag:s23] =	ssyncset.done $0x0  }
0x28: {  	[sflag:s23] =	ssyncadd.s32 $0xFFFFF830  }
0x29: {  	[tilespmem:s24], [sflag:$0x3] =	stream.indirect.gather [hbm4b:s6+s20], $0x8, s4, s20, $0xb8;
	[tilespmem:$0x16440] =	vst v63  }
0x2a: {  	_ =	swait.ge [sflag:s25], $0x7D0  }
0x2b: {  	[sflag:s25] =	ssyncset.done $0x0  }
0x2c: {  	[sflag:s25] =	ssyncadd.s32 $0xFFFFF830  }
0x2d: {  	_ =	swait.ge [sflag:s25], $0x7D0  }
0x2e: {  	[sflag:s25] =	ssyncset.done $0x0  }
0x2f: {  	[sflag:s25] =	ssyncadd.s32 $0xFFFFF830  }
0x30: {  	[tilespmem:s26], [sflag:$0x4] =	stream.indirect.gather [hbm4b:s6+s20], $0x8, s21, s20, $0xb8;
	[tilespmem:$0x16440] =	vst v63  }
0x31: {  	_ =	swait.ge [sflag:s28], $0x3E80  }
0x32: {  	[sflag:s28] =	ssyncset.done $0x0  }
0x33: {  	[sflag:s28] =	ssyncadd.s32 $0xFFFFC180  }
0x34: {  	[spmem:s3] =	stream.indirect.scatter.add.f32 [tilespmem:s24], [sflag:$0x5], $0x8, s20, s20, $0xb8;
	[tilespmem:$0x16440] =	vst v63  }
0x35: {  	_ =	swait.ge [sflag:s29], $0x3E80  }
0x36: {  	[sflag:s29] =	ssyncset.done $0x0  }
0x37: {  	[sflag:s29] =	ssyncadd.s32 $0xFFFFC180  }
0x38: {  	[spmem:s3] =	stream.indirect.scatter.add.f32 [tilespmem:s26], [sflag:$0x6], $0x8, s22, s20, $0xb8;
	[tilespmem:$0x16440] =	vst v63  }
0x39: {  	_ =	swait.ge [sflag:s30], $0x3E80  }
0x3a: {  	s2 =	sshrl.u32 s17, $0x3;
	[sflag:s30] =	ssyncset.done $0x0  }
0x3b: {  	s1 =	sadd.s32 s5, s2;
	[sflag:s30] =	ssyncadd.s32 $0xFFFFC180  }
0x3c: {  	[tilespmem:s4], [sflag:$0x1] =	stream.linear.gather [hbm4b:s1+s4], $0x7D0, $0x38;
	[tilespmem:$0x16440] =	vst v63  }
0x3d: {  	s9 =	sadd.s32 $0x0, s16  }
0x3e: {  	[tilespmem:s20], [sflag:$0x1] =	stream.linear.gather [hbm4b:s9+s4], $0x7D0, $0x38;
	[tilespmem:$0x16440] =	vst v63  }
0x3f: {  	_ =	swait.ge [sflag:s31], $0x3E80  }
0x40: {  	s2 =	simm.s32 $0x1F4;
	s10 =	sadd.s32 $0x0, s15;
	[sflag:s31] =	ssyncset.done $0x0  }
0x41: {  	s1 =	sadd.s32 $0xFA0, s17;
	s9 =	sadd.s32 $0x0, s14;
	[sflag:s31] =	ssyncadd.s32 $0xFFFFC180  }
0x42: {  	[tilespmem:s21], [sflag:$0x2] =	stream.linear.gather [hbm4b:s10+s4], $0x7D0, $0x38;
	[tilespmem:$0x16440] =	vst v63  }
.LBB2_2:
0x43: {  	[tilespmem:s22], [sflag:$0x2] =	stream.linear.gather [hbm4b:s9+s4], $0x7D0, $0x38;
	[tilespmem:$0x16440] =	vst v63  }
0x44: {  	s9 =	smov.u32 s2  }
0x45: {  	p0 =	sne.s32 s2, $0x2CEC;
	s2 =	sadd.s32 $0x1F4, s2;
	_ =	swait.ge [sflag:s23], $0x7D0  }
0x46: {  	[sflag:s23] =	ssyncset.done $0x0  }
0x47: {  	[sflag:s23] =	ssyncadd.s32 $0xFFFFF830  }
0x48: {  	_ =	swait.ge [sflag:s23], $0x7D0  }
0x49: {  	[sflag:s23] =	ssyncset.done $0x0  }
0x4a: {  	[sflag:s23] =	ssyncadd.s32 $0xFFFFF830  }
0x4b: {  	[tilespmem:s24], [sflag:$0x3] =	stream.indirect.gather [hbm4b:s6+s20], $0x8, s4, s20, $0xb8;
	[tilespmem:$0x16440] =	vst v63  }
0x4c: {  	_ =	swait.ge [sflag:s25], $0x7D0  }
0x4d: {  	[sflag:s25] =	ssyncset.done $0x0  }
0x4e: {  	[sflag:s25] =	ssyncadd.s32 $0xFFFFF830  }
0x4f: {  	_ =	swait.ge [sflag:s25], $0x7D0  }
0x50: {  	[sflag:s25] =	ssyncset.done $0x0  }
0x51: {  	[sflag:s25] =	ssyncadd.s32 $0xFFFFF830  }
0x52: {  	[tilespmem:s26], [sflag:$0x4] =	stream.indirect.gather [hbm4b:s6+s20], $0x8, s21, s20, $0xb8;
	[tilespmem:$0x16440] =	vst v63  }
0x53: {  	_ =	swait.ge [sflag:s28], $0x3E80  }
0x54: {  	[sflag:s28] =	ssyncset.done $0x0  }
0x55: {  	[sflag:s28] =	ssyncadd.s32 $0xFFFFC180  }
0x56: {  	[spmem:s3] =	stream.indirect.scatter.add.f32 [tilespmem:s24], [sflag:$0x5], $0x8, s20, s20, $0xb8;
	[tilespmem:$0x16440] =	vst v63  }
0x57: {  	_ =	swait.ge [sflag:s29], $0x3E80  }
0x58: {  	[sflag:s29] =	ssyncset.done $0x0  }
0x59: {  	[sflag:s29] =	ssyncadd.s32 $0xFFFFC180  }
0x5a: {  	[spmem:s3] =	stream.indirect.scatter.add.f32 [tilespmem:s26], [sflag:$0x6], $0x8, s22, s20, $0xb8;
	[tilespmem:$0x16440] =	vst v63  }
0x5b: {  	_ =	swait.ge [sflag:s30], $0x3E80  }
0x5c: {  	s10 =	sshrl.u32 s1, $0x3;
	[sflag:s30] =	ssyncset.done $0x0  }
0x5d: {  	s10 =	sadd.s32 s5, s10;
	[sflag:s30] =	ssyncadd.s32 $0xFFFFC180  }
0x5e: {  	[tilespmem:s4], [sflag:$0x1] =	stream.linear.gather [hbm4b:s10+s4], $0x7D0, $0x38;
	[tilespmem:$0x16440] =	vst v63  }
0x5f: {  	s10 =	sadd.s32 s9, s16  }
0x60: {  	[tilespmem:s20], [sflag:$0x1] =	stream.linear.gather [hbm4b:s10+s4], $0x7D0, $0x38;
	[tilespmem:$0x16440] =	vst v63  }
.Ltmp0:
0x61: {  	_ =	swait.ge [sflag:s31], $0x3E80;
	(pc) =	sbr.rel @p0 .LBB2_2-.Ltmp0, $4  }
0x62: {  	[sflag:s31] =	ssyncset.done $0x0  }
0x63: {  	s10 =	sadd.s32 s9, s15;
	[sflag:s31] =	ssyncadd.s32 $0xFFFFC180  }
0x64: {  	[tilespmem:s21], [sflag:$0x2] =	stream.linear.gather [hbm4b:s10+s4], $0x7D0, $0x38;
	[tilespmem:$0x16440] =	vst v63  }
0x65: {  	s1 =	sadd.s32 $0xFA0, s1;
	s9 =	sadd.s32 s9, s14  }
0x66: {  	[tilespmem:s22], [sflag:$0x2] =	stream.linear.gather [hbm4b:s9+s4], $0x7D0, $0x38;
	[tilespmem:$0x16440] =	vst v63  }
0x67: {  	_ =	swait.ge [sflag:s23], $0x7D0  }
0x68: {  	[sflag:s23] =	ssyncset.done $0x0  }
0x69: {  	[sflag:s23] =	ssyncadd.s32 $0xFFFFF830  }
0x6a: {  	_ =	swait.ge [sflag:s23], $0x7D0  }
0x6b: {  	[sflag:s23] =	ssyncset.done $0x0  }
0x6c: {  	[sflag:s23] =	ssyncadd.s32 $0xFFFFF830  }
0x6d: {  	[tilespmem:s24], [sflag:$0x3] =	stream.indirect.gather [hbm4b:s6+s20], $0x8, s4, s20, $0xb8;
	[tilespmem:$0x16440] =	vst v63  }
0x6e: {  	_ =	swait.ge [sflag:s25], $0x7D0  }
0x6f: {  	[sflag:s25] =	ssyncset.done $0x0  }
0x70: {  	[sflag:s25] =	ssyncadd.s32 $0xFFFFF830  }
0x71: {  	_ =	swait.ge [sflag:s25], $0x7D0  }
0x72: {  	[sflag:s25] =	ssyncset.done $0x0  }
0x73: {  	[sflag:s25] =	ssyncadd.s32 $0xFFFFF830  }
0x74: {  	[tilespmem:s26], [sflag:$0x4] =	stream.indirect.gather [hbm4b:s6+s20], $0x8, s21, s20, $0xb8;
	[tilespmem:$0x16440] =	vst v63  }
0x75: {  	_ =	swait.ge [sflag:s28], $0x3E80  }
0x76: {  	[sflag:s28] =	ssyncset.done $0x0  }
0x77: {  	[sflag:s28] =	ssyncadd.s32 $0xFFFFC180  }
0x78: {  	[spmem:s3] =	stream.indirect.scatter.add.f32 [tilespmem:s24], [sflag:$0x5], $0x8, s20, s20, $0xb8;
	[tilespmem:$0x16440] =	vst v63  }
0x79: {  	_ =	swait.ge [sflag:s29], $0x3E80  }
0x7a: {  	[sflag:s29] =	ssyncset.done $0x0  }
0x7b: {  	[sflag:s29] =	ssyncadd.s32 $0xFFFFC180  }
0x7c: {  	[spmem:s3] =	stream.indirect.scatter.add.f32 [tilespmem:s26], [sflag:$0x6], $0x8, s22, s20, $0xb8;
	[tilespmem:$0x16440] =	vst v63  }
0x7d: {  	_ =	swait.ge [sflag:s30], $0x3E80  }
0x7e: {  	[sflag:s30] =	ssyncset.done $0x0  }
0x7f: {  	[sflag:s30] =	ssyncadd.s32 $0xFFFFC180  }
0x80: {  	_ =	swait.ge [sflag:s31], $0x3E80  }
0x81: {  	s0 =	sadd.s32 $0x1, s0;
	[sflag:s31] =	ssyncset.done $0x0  }
0x82: {  	p0 =	sne.s32 s0, s13;
	[sflag:s31] =	ssyncadd.s32 $0xFFFFC180  }
.Ltmp1:
0x83: {  	[bflag:$0x0] =	sbarrier.arrive $0xFFFF;
	(pc) =	sbr.rel @p0 .LBB2_1-.Ltmp1, $4  }
0x84: {  	[hbm:s12], [sflag:s7] =	dma.local [spmem:s18], $0x1900  }
0x85: {  	_ =	swait.ge [sflag:s19], $0x1900  }
0x86: {  	[sflag:s19] =	ssyncset.done $0x0  }
0x87: {  	[sflag:s19] =	ssyncadd.s32 $0xFFFFE700  }
0x88: {  	_ =	sfence.sel $0x180000  }
0x89: {  	[bflag:$0x0] =	sbarrier.arrive $0xFFFF  }
0x8a: {  	_ =	strace $0x9000004D  }
0x8b: {  	s0 =	stileid.u32;
	[bflag:$0x2] =	sbarrier.arrive $0xFFFF  }
0x8c: {  	p0 =	sne.s32 s0, $0x0;
	s0 =	rddreg [dreg:$0x3]  }
0x8d: {  	s0 =	sadd.s32 @!p0 $0x100000, s0  }
0x8e: {  	[sflag:s0] =	ssyncadd.tile.s32 @!p0 $0x1;
	_ =	shalt  }
.Lfunc_end2:
_tile_overlayer_lowered:
.L_overlay_start_2:
0x8f: {  	(tag) =	ssettag $0x2  }
0x90: {  	s0 =	rddreg [dreg:$0x0];
	s2 =	stileid.u32  }
0x91: {  	s1 =	rddreg [dreg:$0x1];
	p0 =	sne.s32 s2, $0x0  }
0x92: {  	s3 =	rddreg [dreg:$0x2];
	[bflag:$0x3] =	sbarrier.arrive $0xFFFF;
	s2 =	simm.s32 @!p0 $0x1C07  }
0x93: {  	[timem:s3], [sflag:s2] =	dma.local @!p0 [hbm:s0], s1  }
0x94: {  	s0 =	simm.s32 @!p0 $0x7  }
0x95: {  	_ =	swait.ge @!p0 [sflag:s0], s1  }
0x96: {  	s1 =	ssub.s32 @!p0 $0x0, s1;
	[sflag:s0] =	ssyncset.done @!p0 $0x0  }
0x97: {  	[sflag:s0] =	ssyncadd.s32 @!p0 s1  }
0x98: {  	[bflag:$0x3] =	sbarrier.arrive $0xFFFF  }
0x99: {  	_ =	shalt  }

// kernel: kernel.7.cloned.1.call-start
scs
__scs_entry_jumppad:
0x0: {  	(pc) =	sbr.rel $0x88, $3  }
0x1: {  	(tag) =	ssettag $0x0;
	lr =	simm.s32 $0x1  }
0x2: {  	[smem:$0x3F9B] =	sst lr;
	_ =	strace $0xD0000000  }
0x3: {  	_ = 	snop  }
0x4: {  	_ = 	snop  }
0x5: {  	_ = 	snop  }
0x6: {  	_ = 	snop  }
0x7: {  	_ = 	snop  }
__scs_overlays_trampoline_lowered:
0x8: {  	[smem:$0x3FAA] =	sst s0  }
0x9: {  	[smem:$0x3FAB] =	sst s1  }
0xa: {  	[smem:$0x3FAC] =	sst s2  }
0xb: {  	[smem:$0x3FAD] =	sst s3  }
0xc: {  	[smem:$0x3FAE] =	sst s4  }
0xd: {  	[smem:$0x3FAF] =	sst s5  }
0xe: {  	[smem:$0x3FB0] =	sst s6  }
0xf: {  	[smem:$0x3FB1] =	sst s7  }
0x10: {  	[smem:$0x3FB2] =	sst s8  }
0x11: {  	[smem:$0x3FB3] =	sst s9;
	s0 =	simm.s32 @!p0 $0x0  }
0x12: {  	s1 =	sld [smem:$0x3F99];
	s0 =	simm.s32 @p0 $0x1  }
0x13: {  	[smem:$0x3FB4] =	sst s0;
	s0 =	simm.s32 @!p1 $0x0  }
0x14: {  	s2 =	sld [smem:$0x3F98];
	s0 =	simm.s32 @p1 $0x1  }
0x15: {  	[smem:$0x3FB5] =	sst s0;
	s0 =	simm.s32 @!p2 $0x0  }
0x16: {  	s3 =	sld [smem:$0x3FDB];
	s0 =	simm.s32 @p2 $0x1  }
0x17: {  	s4 =	simm.s32 $0x1BF5;
	[smem:$0x3FB7] =	sst s0  }
0x18: {  	s0 =	sld [smem:$0x3F9A];
	_ =	swait.ge [sflag:s4], $0x0  }
0x19: {  	s7 =	sld [smem:$0x3F9B]  }
0x1a: {  	s8 =	sadd.s32 $0xFFFFE003, lr  }
0x1b: {  	s9 =	sadd.s32 $0xFFFFFEF7, lr;
	s5 =	simm.s32 $0xFFFFFFFF;
	p2 =	slt.u32 s8, $0xFFFFF086  }
0x1c: {  	p1 =	slt.u32 s9, $0xF7A;
	s5 =	simm.s32 @!p2 $0x0  }
0x1d: {  	s5 =	simm.s32 @p1 $0x1;
	p0 =	seq.s32 s7, s2  }
0x1e: {  	s7 =	smul.u32 @!p0 $0xF7A, s2;
	p2 =	seq.s32 @!p0 s5, $0x0  }
0x1f: {  	s9 =	smul.u32 $0xF7A, s1;
	s8 =	simm.s32 @!p0 $0x1BF5;
	p2 =	por !p2, p0  }
0x20: {  	[sflag:s8] =	ssyncset.s32 @!p0 $0xFFFFF086;
	s6 =	sadd.s32 @!p0 s3, s7;
	s7 =	simm.s32 @!p0 $0x108  }
0x21: {  	s3 =	sadd.s32 s3, s9;
	s6 =	sadd.s32 @!p0 $0x88, s6;
	s7 =	simm.s32 @p2 $0x1082  }
0x22: {  	[simem:s7], [sflag:s8] =	dma.local @!p0 [hbm:s6], $0xF7A  }
0x23: {  	s9 =	sor.u32 $0xD0000000, s2;
	s6 =	simm.s32 $0x108;
	_ =	swait.ge @!p0 [sflag:s8], $0x0  }
0x24: {  	s3 =	sadd.s32 $0x88, s3;
	s6 =	simm.s32 @!p1 $0x1082;
	[sflag:s4] =	ssyncset.s32 $0xFFFFF086  }
0x25: {  	[simem:s6], [sflag:s4] =	dma.local [hbm:s3], $0xF7A  }
0x26: {  	[smem:$0x3F9B] =	sst s1;
	(tag) =	ssettag s2;
	_ =	strace s9  }
0x27: {  	s1 =	sld [smem:$0x3FAB]  }
0x28: {  	s2 =	sld [smem:$0x3FAC]  }
0x29: {  	s4 =	sld [smem:$0x3FAE]  }
0x2a: {  	p0 =	seq.s32 s5, $0x0;
	s5 =	sld [smem:$0x3FAF]  }
0x2b: {  	s6 =	sld [smem:$0x3FB0]  }
0x2c: {  	s7 =	sld [smem:$0x3FB1]  }
0x2d: {  	s3 =	simm.s32 $0x108;
	s8 =	sld [smem:$0x3FB2]  }
0x2e: {  	s3 =	simm.s32 @!p0 $0x1082;
	s9 =	sld [smem:$0x3FB3]  }
0x2f: {  	lr =	sadd.s32 s0, s3;
	s0 =	sld [smem:$0x3FAA]  }
0x30: {  	s3 =	sld [smem:$0x3FAD]  }
0x31: {  	[smem:$0x3FB6] =	sst s10  }
0x32: {  	s10 =	sld [smem:$0x3FB4];
	_ =	sdelay $0x3  }
0x33: {  	p0 =	seq.s32 s10, $0x1;
	s10 =	sld [smem:$0x3FB6];
	_ =	sdelay $0x3  }
0x34: {  	[smem:$0x3FB6] =	sst s10  }
0x35: {  	s10 =	sld [smem:$0x3FB5];
	_ =	sdelay $0x3  }
0x36: {  	p1 =	seq.s32 s10, $0x1;
	s10 =	sld [smem:$0x3FB6];
	_ =	sdelay $0x3  }
0x37: {  	[smem:$0x3FB6] =	sst s10  }
0x38: {  	s10 =	sld [smem:$0x3FB7]  }
0x39: {  	_ = 	snop;
	(pc) =	sbr.ind lr, $3  }
0x3a: {  	_ = 	snop  }
0x3b: {  	_ = 	snop  }
0x3c: {  	p2 =	seq.s32 s10, $0x1;
	s10 =	sld [smem:$0x3FB6]  }
0x3d: {  	_ =	shalt  }
0x3e: {  	_ =	shalt  }
0x3f: {  	_ =	shalt  }
0x40: {  	_ =	shalt  }
0x41: {  	_ =	shalt  }
0x42: {  	_ =	shalt  }
0x43: {  	_ =	shalt  }
0x44: {  	_ =	shalt  }
0x45: {  	_ =	shalt  }
0x46: {  	_ =	shalt  }
0x47: {  	_ =	shalt  }
0x48: {  	_ =	shalt  }
0x49: {  	_ =	shalt  }
0x4a: {  	_ =	shalt  }
0x4b: {  	_ =	shalt  }
0x4c: {  	_ =	shalt  }
0x4d: {  	_ =	shalt  }
0x4e: {  	_ =	shalt  }
0x4f: {  	_ =	shalt  }
0x50: {  	_ =	shalt  }
0x51: {  	_ =	shalt  }
0x52: {  	_ =	shalt  }
0x53: {  	_ =	shalt  }
0x54: {  	_ =	shalt  }
0x55: {  	_ =	shalt  }
0x56: {  	_ =	shalt  }
0x57: {  	_ =	shalt  }
0x58: {  	_ =	shalt  }
0x59: {  	_ =	shalt  }
0x5a: {  	_ =	shalt  }
0x5b: {  	_ =	shalt  }
0x5c: {  	_ =	shalt  }
0x5d: {  	_ =	shalt  }
0x5e: {  	_ =	shalt  }
0x5f: {  	_ =	shalt  }
0x60: {  	_ =	shalt  }
0x61: {  	_ =	shalt  }
0x62: {  	_ =	shalt  }
0x63: {  	_ =	shalt  }
0x64: {  	_ =	shalt  }
0x65: {  	_ =	shalt  }
0x66: {  	_ =	shalt  }
0x67: {  	_ =	shalt  }
0x68: {  	_ =	shalt  }
0x69: {  	_ =	shalt  }
0x6a: {  	_ =	shalt  }
0x6b: {  	_ =	shalt  }
0x6c: {  	_ =	shalt  }
0x6d: {  	_ =	shalt  }
0x6e: {  	_ =	shalt  }
0x6f: {  	_ =	shalt  }
0x70: {  	_ =	shalt  }
0x71: {  	_ =	shalt  }
0x72: {  	_ =	shalt  }
0x73: {  	_ =	shalt  }
0x74: {  	_ =	shalt  }
0x75: {  	_ =	shalt  }
0x76: {  	_ =	shalt  }
0x77: {  	_ =	shalt  }
0x78: {  	_ =	shalt  }
0x79: {  	_ =	shalt  }
0x7a: {  	_ =	shalt  }
0x7b: {  	_ =	shalt  }
0x7c: {  	_ =	shalt  }
0x7d: {  	_ =	shalt  }
0x7e: {  	_ =	shalt  }
0x7f: {  	_ =	shalt  }
0x80: {  	_ =	shalt  }
0x81: {  	_ =	shalt  }
0x82: {  	_ =	shalt  }
0x83: {  	_ =	shalt  }
0x84: {  	_ =	shalt  }
0x85: {  	_ =	shalt  }
0x86: {  	_ =	shalt  }
0x87: {  	_ =	shalt  }
.Lfunc_end0:
.L_simem_size_0:
called_computation_lowered:
.L_overlay_start_0:
0x88: {  	s2 =	sld [smem:$0x3FD9]  }
0x89: {  	s3 =	sld [smem:$0x3FFE];
	_ =	sdelay $0x1  }
0x8a: {  	s1 =	srdreg.scid  }
0x8b: {  	s0 =	sand.u32 $0x1, s1  }
0x8c: {  	s17 =	sshll.u32 s0, $0xA;
	s2 =	sadd.s32 s3, s2  }
0x8d: {  	s2 =	sadd.s32 s2, s17  }
0x8e: {  	[smem:$0x3FC2] =	sst s2  }
0x8f: {  	_ = 	snop  }
0x90: {  	s2 =	sld [smem:$0x3FD0];
	(tm) =	ssettm $0x1  }
0x91: {  	s18 =	sld [smem:$0x3FFB];
	_ =	sdelay $0x3  }
0x92: {  	_ =	strace s18  }
0x93: {  	s3 =	sld [smem:$0x3FFC];
	_ =	sdelay $0x3  }
0x94: {  	_ =	strace s3  }
0x95: {  	s3 =	sld [smem:$0x3FFD];
	_ =	sdelay $0x3  }
0x96: {  	_ =	strace s3  }
0x97: {  	_ =	strace $0x8FFFFFFF  }
0x98: {  	s19 =	sld [smem:$0x3FDB];
	_ =	sdelay $0x1  }
0x99: {  	s4 =	simm.s32 $_scs_section_size  }
0x9a: {  	s5 =	simm.s32 $_size__tile_overlayer_lowered;
	s6 =	simm.s32 $_tile_overlayer_lowered  }
0x9b: {  	s22 =	simm.s32 $0x1BFF;
	s21 =	sshll.u32 s6, $0x1;
	s3 =	sadd.s32 s4, s19  }
0x9c: {  	s7 =	simm.s32 $0x0;
	s20 =	sshll.u32 s5, $0x1;
	s5 =	sadd.s32 s21, s3  }
0x9d: {  	[timem:s7], [sflag:s22] =	dma.local [hbm:s5], s20  }
0x9e: {  	_ =	swait.ge [sflag:s22], s20  }
0x9f: {  	s4 =	ssub.s32 $0x0, s20;
	[sflag:s22] =	ssyncset.done $0x0  }
0xa0: {  	[sflag:s22] =	ssyncadd.s32 s4;
	_ =	sdelay $0x1  }
0xa1: {  	s23 =	simm.s32 $0x1B8B  }
0xa2: {  	_ =	swait.ge [sflag:s23], $0x1  }
0xa3: {  	[sflag:s23] =	ssyncset.done $0x0  }
0xa4: {  	s25 =	simm.s32 $0x1B8E;
	s24 =	sld [smem:$0x3FFE];
	[sflag:s23] =	ssyncadd.s32 $0xFFFFFFFF  }
0xa5: {  	s26 =	simm.s32 $execute0_lowered;
	[smem:$0x3FD2] =	sst s25  }
0xa6: {  	s5 =	sshll.u32 s26, $0x1;
	_ =	strace $0x80000046;
	[dreg:$0x1] =	wrdreg $0xFFFFFFFF  }
0xa7: {  	s28 =	simm.s32 $_size_execute0_lowered;
	s3 =	sadd.s32 s3, s5;
	[dreg:$0x0] =	wrdreg $0x0  }
0xa8: {  	s5 =	sshll.u32 s28, $0x1;
	[dreg:$0x2] =	wrdreg s3  }
0xa9: {  	[dreg:$0x3] =	wrdreg s5  }
0xaa: {  	[dreg:$0x4] =	wrdreg $0xC0  }
0xab: {  	_ =	task [dreg:s7], $0x5FFFF  }
0xac: {  	[dreg:$0x1] =	wrdreg $0xFFFFFFFF  }
0xad: {  	[dreg:$0x0] =	wrdreg $0x60  }
0xae: {  	[dreg:$0x2] =	wrdreg s24  }
0xaf: {  	[dreg:$0x3] =	wrdreg s2  }
0xb0: {  	[dreg:$0x4] =	wrdreg $0x14FF00  }
0xb1: {  	[dreg:$0x5] =	wrdreg $0x9  }
0xb2: {  	_ =	task.clear_ibuf [dreg:s7], $0x6FFFF;
	_ =	strace $0x90000046  }
0xb3: {  	s29 =	simm.s32 $0x9;
	_ =	strace $0x80000048  }
0xb4: {  	_ =	swait.ge [sflag:s29], $0x1  }
0xb5: {  	[sflag:s29] =	ssyncadd.s32 $0xFFFFFFFF  }
0xb6: {  	_ =	strace $0x90000048  }
0xb7: {  	_ =	sfence  }
0xb8: {  	s30 =	sld [smem:$0x0];
	_ =	sdelay $0x2  }
0xb9: {  	s31 =	sshll.u32 s1, $0xD;
	s1 =	sshrl.u32 s1, $0x2  }
0xba: {  	s3 =	sand.u32 $0x4000, s31;
	s1 =	sadd.s32 s1, s30  }
0xbb: {  	s0 =	sor.u32 s3, s0;
	s1 =	sshll.u32 s1, $0x11  }
0xbc: {  	s0 =	sor.u32 s1, s0  }
0xbd: {  	s0 =	sadd.s32 $0x8F2B, s0  }
0xbe: {  	[sflag:s0] =	ssyncadd.remote.s32 $0x1  }
0xbf: {  	_ =	sfence.sel $0xFFFF  }
0xc0: {  	[dreg:$0x0] =	wrdreg $0xFFFFFFFF;
	(pc) =	sbr.abs _section_cstart, $3  }
0xc1: {  	[dreg:$0x1] =	wrdreg $0xFFFFFFFF  }
0xc2: {  	_ =	task.clear_ibuf [dreg:s7], $0x2FFFF;
	_ =	strace $0x9FFFFFFF  }
0xc3: {  	(tm) =	ssettm $0x7FFFFFFF  }
tec
execute0_lowered:
.L_overlay_start_1:
0x0: {  	(tag) =	ssettag $0x1  }
0x1: {  	s6 =	rddreg [dreg:$0x0]  }
0x2: {  	s0 =	srdreg.scid;
	s2 =	rddreg [dreg:$0x1]  }
0x3: {  	s3 =	rddreg [dreg:$0x2];
	s1 =	stileid.u32;
	s4 =	simm.s32 $0x0  }
0x4: {  	s18 =	simm.s32 $0x7D0;
	s19 =	simm.s32 $0x1;
	s20 =	simm.s32 $0x2  }
0x5: {  	s21 =	simm.s32 $0x3;
	s22 =	simm.s32 $0x4;
	s23 =	simm.s32 $0x1770  }
0x6: {  	s24 =	simm.s32 $0x23F0;
	s25 =	simm.s32 $0xEBF0;
	s28 =	simm.s32 $0x0  }
0x7: {  	s5 =	sand.u32 $0x1, s0;
	s0 =	rddreg [dreg:$0x3];
	s10 =	smul.u32 $0x6400, s1  }
0x8: {  	[smem:$0x7FF] =	sst s4;
	s14 =	sadd.s32 $0x2600, s6;
	s12 =	smul.u32 $0x30D40, s1  }
0x9: {  	s31 =	sshll.u32 s1, $0x6;
	s17 =	smul.u32 $0x61A8, s1;
	s7 =	sshll.u32 s5, $0x4  }
0xa: {  	_ =	strace $0x80000047;
	s9 =	ssub.s32 $0x2, s5;
	s5 =	sadd.s32 $0xDEC00, s6  }
0xb: {  	s7 =	sor.u32 s1, s7;
	s11 =	sshrl.u32 s9, $0x1;
	s26 =	sshrl.u32 s10, $0x2  }
0xc: {  	s29 =	sshrl.u32 s12, $0x3;
	s8 =	smul.u32 $0xC80, s7;
	s15 =	ssub.s32 s9, s11  }
0xd: {  	s30 =	smul.u32 $0x3200, s7;
	s16 =	sadd.s32 s26, s3;
	s26 =	simm.s32 $0x87F0  }
0xe: {  	s13 =	sadd.s32 s8, s6;
	s8 =	sadd.s32 s14, s29;
	s6 =	sor.u32 $0x1C05, s31  }
0xf: {  	s9 =	sshrl.u32 s30, $0x2;
	s14 =	sadd.s32 s17, s14;
	s17 =	simm.s32 $0xFA0  }
0x10: {  	s7 =	sadd.s32 $0x61A80, s8;
	s8 =	sadd.s32 $0x61B7A, s8;
	s9 =	sadd.s32 s9, s3  }
0x11: {  	v1 =	vlaneseq.u32;
	s10 =	sadd.s32 $0xC5C00, s13;
	s11 =	sadd.s32 $0xDEE00, s13;
	s12 =	sadd.s32 $0xF7E00, s13  }
0x12: {  	v0 =	vshrl.u32 v1, $0x3;
	v1 =	vand.u32 $0x7, v1;
	s13 =	smax.u32 s15, $0x1;
	s15 =	sshrl.u32 s16, $0x3;
	s16 =	simm.s32 $0x5  }
.LBB2_1:
0x13: {  	[spmem:s15], [sflag:s6] =	dma.local [hbm:s2], $0x320  }
0x14: {  	_ =	swait.ge [sflag:s16], $0x320  }
0x15: {  	[sflag:s16] =	ssyncset.done $0x0  }
0x16: {  	[sflag:s16] =	ssyncadd.s32 $0xFFFFFCE0  }
0x17: {  	[tilespmem:s17], [sflag:$0x5] =	stream.linear.gather [hbm4b:s5+s4], $0x7D0, $0x38;
	[tilespmem:$0x168F0] =	vst v63  }
0x18: {  	_ =	swait.ge [sflag:s16], $0x7D0  }
0x19: {  	[sflag:s16] =	ssyncset.done $0x0  }
0x1a: {  	[sflag:s16] =	ssyncadd.s32 $0xFFFFF830  }
0x1b: {  	[bflag:$0x0] =	sbarrier.arrive $0xFFFF  }
0x1c: {  	[tilespmem:s4], [sflag:$0x1] =	stream.linear.gather [hbm4b:s7+s4], $0x7D0, $0x38;
	[tilespmem:$0x168F0] =	vst v63  }
0x1d: {  	_ = 	snop  }
0x1e: {  	[tilespmem:s18], [sflag:$0x2] =	stream.linear.gather [hbm4b:s8+s4], $0x7D0, $0x38;
	[tilespmem:$0x168F0] =	vst v63  }
0x1f: {  	_ =	swait.ge [sflag:s19], $0x7D0  }
0x20: {  	[sflag:s19] =	ssyncset.done $0x0  }
0x21: {  	[sflag:s19] =	ssyncadd.s32 $0xFFFFF830  }
0x22: {  	[spmem:s3] =	stream.indirect.scatter.add.f32 [tilespmem:s17], [sflag:$0x3], $0x1, s4, s18, $0xb8;
	[tilespmem:$0x168F0] =	vst v63  }
0x23: {  	_ =	swait.ge [sflag:s20], $0x7D0  }
0x24: {  	[sflag:s20] =	ssyncset.done $0x0  }
0x25: {  	[sflag:s20] =	ssyncadd.s32 $0xFFFFF830  }
0x26: {  	[spmem:s3] =	stream.indirect.scatter.add.f32 [tilespmem:s17], [sflag:$0x4], $0x1, s18, s18, $0xb8;
	[tilespmem:$0x168F0] =	vst v63  }
0x27: {  	_ =	swait.ge [sflag:s21], $0x7D0  }
0x28: {  	s30 =	sadd.s32 $0xFFFFA04C, s14;
	[sflag:s21] =	ssyncset.done $0x0  }
0x29: {  	s29 =	sadd.s32 $0x67C28, s30;
	[sflag:s21] =	ssyncadd.s32 $0xFFFFF830  }
0x2a: {  	[tilespmem:s4], [sflag:$0x1] =	stream.linear.gather [hbm4b:s29+s4], $0x7D0, $0x38;
	[tilespmem:$0x168F0] =	vst v63  }
0x2b: {  	_ =	swait.ge [sflag:s22], $0x7D0  }
0x2c: {  	[sflag:s22] =	ssyncset.done $0x0  }
0x2d: {  	s30 =	sadd.s32 $0x67D22, s30;
	s29 =	simm.s32 $0xFFFFA240;
	[sflag:s22] =	ssyncadd.s32 $0xFFFFF830  }
.LBB2_2:
0x2e: {  	[tilespmem:s18], [sflag:$0x2] =	stream.linear.gather [hbm4b:s30+s4], $0x7D0, $0x38;
	[tilespmem:$0x168F0] =	vst v63  }
0x2f: {  	s30 =	smov.u32 s29  }
0x30: {  	p0 =	sne.s32 s29, $0xFFFFFE0C;
	s29 =	sadd.s32 $0x1F4, s29;
	_ =	swait.ge [sflag:s19], $0x7D0  }
0x31: {  	[sflag:s19] =	ssyncset.done $0x0  }
0x32: {  	[sflag:s19] =	ssyncadd.s32 $0xFFFFF830  }
0x33: {  	[spmem:s3] =	stream.indirect.scatter.add.f32 [tilespmem:s17], [sflag:$0x3], $0x1, s4, s18, $0xb8;
	[tilespmem:$0x168F0] =	vst v63  }
0x34: {  	_ =	swait.ge [sflag:s20], $0x7D0  }
0x35: {  	[sflag:s20] =	ssyncset.done $0x0  }
0x36: {  	[sflag:s20] =	ssyncadd.s32 $0xFFFFF830  }
0x37: {  	[spmem:s3] =	stream.indirect.scatter.add.f32 [tilespmem:s17], [sflag:$0x4], $0x1, s18, s18, $0xb8;
	[tilespmem:$0x168F0] =	vst v63  }
0x38: {  	_ =	swait.ge [sflag:s21], $0x7D0  }
0x39: {  	s30 =	sadd.s32 s30, s14;
	[sflag:s21] =	ssyncset.done $0x0  }
.Ltmp0:
0x3a: {  	s31 =	sadd.s32 $0x67C28, s30;
	[sflag:s21] =	ssyncadd.s32 $0xFFFFF830;
	(pc) =	sbr.rel @p0 .LBB2_2-.Ltmp0, $4  }
0x3b: {  	[tilespmem:s4], [sflag:$0x1] =	stream.linear.gather [hbm4b:s31+s4], $0x7D0, $0x38;
	[tilespmem:$0x168F0] =	vst v63  }
0x3c: {  	_ =	swait.ge [sflag:s22], $0x7D0  }
0x3d: {  	[sflag:s22] =	ssyncset.done $0x0  }
0x3e: {  	s30 =	sadd.s32 $0x67D22, s30;
	[sflag:s22] =	ssyncadd.s32 $0xFFFFF830  }
0x3f: {  	[tilespmem:s18], [sflag:$0x2] =	stream.linear.gather [hbm4b:s30+s4], $0x7D0, $0x38;
	[tilespmem:$0x168F0] =	vst v63  }
0x40: {  	_ =	swait.ge [sflag:s19], $0x7D0  }
0x41: {  	[sflag:s19] =	ssyncset.done $0x0  }
0x42: {  	s29 =	simm.s32 $0x0;
	[sflag:s19] =	ssyncadd.s32 $0xFFFFF830  }
0x43: {  	[spmem:s3] =	stream.indirect.scatter.add.f32 [tilespmem:s17], [sflag:$0x3], $0x1, s29, s18, $0xb8;
	[tilespmem:$0x168F0] =	vst v63  }
0x44: {  	_ =	swait.ge [sflag:s20], $0x7D0  }
0x45: {  	[sflag:s20] =	ssyncset.done $0x0  }
0x46: {  	[sflag:s20] =	ssyncadd.s32 $0xFFFFF830  }
0x47: {  	[spmem:s3] =	stream.indirect.scatter.add.f32 [tilespmem:s17], [sflag:$0x4], $0x1, s18, s18, $0xb8;
	[tilespmem:$0x168F0] =	vst v63  }
0x48: {  	_ =	swait.ge [sflag:s21], $0x7D0  }
0x49: {  	[sflag:s21] =	ssyncset.done $0x0  }
0x4a: {  	[sflag:s21] =	ssyncadd.s32 $0xFFFFF830  }
0x4b: {  	_ =	swait.ge [sflag:s22], $0x7D0  }
0x4c: {  	[sflag:s22] =	ssyncset.done $0x0  }
0x4d: {  	[sflag:s22] =	ssyncadd.s32 $0xFFFFF830  }
0x4e: {  	[bflag:$0x0] =	sbarrier.arrive $0xFFFF  }
0x4f: {  	[tilespmem:s23], [sflag:$0x5] =	stream.linear.gather [spmem:s9], $0xC80, $0x38;
	[tilespmem:$0x168F0] =	vst v63  }
0x50: {  	_ =	swait.ge [sflag:s16], $0xC80  }
0x51: {  	[sflag:s16] =	ssyncset.done $0x0  }
0x52: {  	v2 =	vor.u32 s29, v0;
	[sflag:s16] =	ssyncadd.s32 $0xFFFFF380  }
0x53: {  	[tilespmem:s24], [sflag:$0x5] =	stream.linear.gather [hbm4b:s10+s29], $0x6400, $0x38;
	[tilespmem:$0x168F0] =	vst v63  }
0x54: {  	_ =	swait.ge [sflag:s16], $0x6400  }
0x55: {  	[sflag:s16] =	ssyncset.done $0x0  }
0x56: {  	[sflag:s16] =	ssyncadd.s32 $0xFFFF9C00  }
0x57: {  	v3 =	vld.idx.msk [tilespmem:v2+s23+$0x0], $0xffff;
	_ =	sdelay $0x4  }
0x58: {  	v3 =	vadd.f32 $1.000000000e+00, v3;
	_ =	sdelay $0x1  }
0x59: {  	v4 =	vshrl.u32 v3, $0x1;
	v3 =	vmul.f32 $5.000000000e-01, v3  }
0x5a: {  	v4 =	vsub.s32 $0x5F3759DF, v4  }
0x5b: {  	v5 =	vmul.f32 v4, v3;
	_ =	sdelay $0x1  }
0x5c: {  	v5 =	vmul.f32 v4, v5;
	_ =	sdelay $0x1  }
0x5d: {  	v5 =	vsub.f32 $1.500000000e+00, v5;
	_ =	sdelay $0x1  }
0x5e: {  	v4 =	vmul.f32 v4, v5;
	_ =	sdelay $0x1  }
0x5f: {  	v5 =	vmul.f32 v4, v3;
	_ =	sdelay $0x1  }
0x60: {  	v5 =	vmul.f32 v5, v4;
	_ =	sdelay $0x1  }
0x61: {  	v5 =	vsub.f32 $1.500000000e+00, v5  }
0x62: {  	v2 =	vshll.u32 v2, $0x3  }
0x63: {  	v2 =	vor.u32 v1, v2;
	v4 =	vmul.f32 v5, v4;
	_ =	sdelay $0x1  }
0x64: {  	v3 =	vmul.f32 v4, v3;
	_ =	sdelay $0x1  }
0x65: {  	v3 =	vmul.f32 v3, v4  }
0x66: {  	v2 =	vld.idx.msk [tilespmem:v2+s24+$0x0], $0xffff  }
0x67: {  	v3 =	vsub.f32 $1.500000000e+00, v3  }
0x68: {  	s29 =	simm.s32 $0x2  }
0x69: {  	v5 =	vor.u32 s29, v0;
	v3 =	vmul.f32 v3, v4;
	_ =	sdelay $0x1  }
0x6a: {  	s29 =	simm.s32 $0xEBF0;
	v2 =	vmul.f32 v3, v2  }
0x6b: {  	s30 =	simm.s32 $0x87F0;
	[tilespmem:s29+$0x0] =	vst v3  }
0x6c: {  	[tilespmem:s30+$0x0] =	vst v2  }
0x6d: {  	v2 =	vld.idx.msk [tilespmem:v5+s23+$0x0], $0xffff;
	_ =	sdelay $0x4  }
0x6e: {  	v2 =	vadd.f32 $1.000000000e+00, v2;
	_ =	sdelay $0x1  }
0x6f: {  	v3 =	vshrl.u32 v2, $0x1;
	v2 =	vmul.f32 $5.000000000e-01, v2  }
0x70: {  	v3 =	vsub.s32 $0x5F3759DF, v3  }
0x71: {  	v4 =	vmul.f32 v3, v2;
	_ =	sdelay $0x1  }
0x72: {  	v4 =	vmul.f32 v3, v4;
	_ =	sdelay $0x1  }
0x73: {  	v4 =	vsub.f32 $1.500000000e+00, v4;
	_ =	sdelay $0x1  }
0x74: {  	v3 =	vmul.f32 v3, v4;
	_ =	sdelay $0x1  }
0x75: {  	v4 =	vmul.f32 v3, v2;
	_ =	sdelay $0x1  }
0x76: {  	v4 =	vmul.f32 v4, v3;
	_ =	sdelay $0x1  }
0x77: {  	v4 =	vsub.f32 $1.500000000e+00, v4;
	_ =	sdelay $0x1  }
0x78: {  	v4 =	vmul.f32 v4, v3;
	v3 =	vshll.u32 v5, $0x3  }
0x79: {  	v3 =	vor.u32 v1, v3;
	_ =	sdelay $0x1  }
0x7a: {  	v2 =	vmul.f32 v4, v2;
	_ =	sdelay $0x1  }
0x7b: {  	v2 =	vmul.f32 v2, v4  }
0x7c: {  	v3 =	vld.idx.msk [tilespmem:v3+s24+$0x0], $0xffff  }
0x7d: {  	v5 =	vsub.f32 $1.500000000e+00, v2  }
0x7e: {  	s31 =	simm.s32 $0x4  }
0x7f: {  	v2 =	vor.u32 s31, v0;
	s31 =	simm.s32 $0x6;
	v4 =	vmul.f32 v5, v4  }
.LBB2_4:
0x80: {  	p0 =	sne.s32 s31, $0xC7E  }
0x81: {  	s29 =	sadd.s32 $0x10, s29;
	v3 =	vmul.f32 v4, v3  }
0x82: {  	s30 =	sadd.s32 $0x10, s30;
	[tilespmem:s29+$0x0] =	vst v4  }
0x83: {  	[tilespmem:s30+$0x0] =	vst v3  }
0x84: {  	v3 =	vld.idx.msk [tilespmem:v2+s23+$0x0], $0xffff;
	_ =	sdelay $0x5  }
0x85: {  	v3 =	vadd.f32 $1.000000000e+00, v3;
	_ =	sdelay $0x1  }
0x86: {  	v4 =	vshrl.u32 v3, $0x1;
	v3 =	vmul.f32 $5.000000000e-01, v3  }
0x87: {  	v4 =	vsub.s32 $0x5F3759DF, v4  }
0x88: {  	v5 =	vmul.f32 v4, v3;
	_ =	sdelay $0x1  }
0x89: {  	v5 =	vmul.f32 v4, v5;
	_ =	sdelay $0x1  }
0x8a: {  	v5 =	vsub.f32 $1.500000000e+00, v5;
	_ =	sdelay $0x1  }
0x8b: {  	v4 =	vmul.f32 v4, v5;
	_ =	sdelay $0x1  }
0x8c: {  	v5 =	vmul.f32 v4, v3;
	_ =	sdelay $0x1  }
0x8d: {  	v5 =	vmul.f32 v5, v4;
	_ =	sdelay $0x1  }
0x8e: {  	v2 =	vshll.u32 v2, $0x3;
	v5 =	vsub.f32 $1.500000000e+00, v5  }
0x8f: {  	v2 =	vor.u32 v1, v2  }
0x90: {  	v4 =	vmul.f32 v5, v4;
	_ =	sdelay $0x1  }
0x91: {  	v3 =	vmul.f32 v4, v3;
	_ =	sdelay $0x1  }
.Ltmp1:
0x92: {  	v5 =	vmul.f32 v3, v4;
	v3 =	vld.idx.msk [tilespmem:v2+s24+$0x0], $0xffff;
	(pc) =	sbr.rel @p0 .LBB2_4-.Ltmp1, $3  }
0x93: {  	_ = 	snop  }
0x94: {  	v5 =	vsub.f32 $1.500000000e+00, v5;
	_ =	sdelay $0x1  }
0x95: {  	v2 =	vor.u32 s31, v0;
	s31 =	sadd.s32 $0x2, s31;
	v4 =	vmul.f32 v5, v4  }
0x96: {  	_ = 	snop  }
0x97: {  	s29 =	sadd.s32 $0x10, s29;
	v3 =	vmul.f32 v4, v3  }
0x98: {  	s30 =	sadd.s32 $0x10, s30;
	[tilespmem:s29+$0x0] =	vst v4  }
0x99: {  	[tilespmem:s30+$0x0] =	vst v3  }
0x9a: {  	v3 =	vld.idx.msk [tilespmem:v2+s23+$0x0], $0xffff;
	_ =	sdelay $0x4  }
0x9b: {  	v3 =	vadd.f32 $1.000000000e+00, v3;
	_ =	sdelay $0x1  }
0x9c: {  	v63 =	vshrl.u32 v3, $0x1;
	v3 =	vmul.f32 $5.000000000e-01, v3  }
0x9d: {  	v4 =	vsub.s32 $0x5F3759DF, v63  }
0x9e: {  	v5 =	vmul.f32 v4, v3;
	_ =	sdelay $0x1  }
0x9f: {  	v5 =	vmul.f32 v4, v5;
	_ =	sdelay $0x1  }
0xa0: {  	v5 =	vsub.f32 $1.500000000e+00, v5;
	_ =	sdelay $0x1  }
0xa1: {  	v4 =	vmul.f32 v4, v5;
	_ =	sdelay $0x1  }
0xa2: {  	v5 =	vmul.f32 v4, v3;
	_ =	sdelay $0x1  }
0xa3: {  	v5 =	vmul.f32 v5, v4;
	_ =	sdelay $0x1  }
0xa4: {  	v5 =	vsub.f32 $1.500000000e+00, v5  }
0xa5: {  	v2 =	vshll.u32 v2, $0x3  }
0xa6: {  	v2 =	vor.u32 v1, v2;
	v4 =	vmul.f32 v5, v4;
	_ =	sdelay $0x1  }
0xa7: {  	v3 =	vmul.f32 v4, v3;
	_ =	sdelay $0x1  }
0xa8: {  	v3 =	vmul.f32 v3, v4  }
0xa9: {  	v2 =	vld.idx.msk [tilespmem:v2+s24+$0x0], $0xffff  }
0xaa: {  	v3 =	vsub.f32 $1.500000000e+00, v3;
	_ =	sdelay $0x1  }
0xab: {  	v3 =	vmul.f32 v3, v4;
	_ =	sdelay $0x1  }
0xac: {  	s29 =	sadd.s32 $0x10, s29;
	v2 =	vmul.f32 v3, v2  }
0xad: {  	s31 =	sadd.s32 $0x10, s30;
	[tilespmem:s29+$0x0] =	vst v3  }
0xae: {  	[tilespmem:s31+$0x0] =	vst v2  }
0xaf: {  	[hbm4b:s11+s4] =	stream.linear.scatter [tilespmem:s25], [sflag:$0x5], $0x6400, $0x38;
	[tilespmem:$0x168F0] =	vst v63  }
0xb0: {  	s28 =	sadd.s32 $0x1, s28;
	_ =	swait.ge [sflag:s16], $0x6400  }
0xb1: {  	p0 =	sne.s32 s28, s13;
	[sflag:s16] =	ssyncset.done $0x0  }
.Ltmp2:
0xb2: {  	[sflag:s16] =	ssyncadd.s32 $0xFFFF9C00;
	(pc) =	sbr.rel @p0 .LBB2_1-.Ltmp2, $4  }
0xb3: {  	[hbm4b:s12+s4] =	stream.linear.scatter [tilespmem:s26], [sflag:$0x5], $0x6400, $0x38;
	[tilespmem:$0x168F0] =	vst v63  }
0xb4: {  	_ =	swait.ge [sflag:s16], $0x6400  }
0xb5: {  	[sflag:s16] =	ssyncset.done $0x0  }
0xb6: {  	[sflag:s16] =	ssyncadd.s32 $0xFFFF9C00  }
0xb7: {  	_ =	sfence.sel $0x180000  }
0xb8: {  	[bflag:$0x0] =	sbarrier.arrive $0xFFFF  }
0xb9: {  	p0 =	sne.s32 s1, $0x0;
	_ =	strace $0x90000047  }
0xba: {  	s0 =	sadd.s32 @!p0 $0x100000, s0;
	[bflag:$0x2] =	sbarrier.arrive $0xFFFF  }
0xbb: {  	[sflag:s0] =	ssyncadd.tile.s32 @!p0 $0x1;
	_ =	shalt  }
.Lfunc_end2:
_tile_overlayer_lowered:
.L_overlay_start_2:
0xbc: {  	(tag) =	ssettag $0x2  }
0xbd: {  	s0 =	rddreg [dreg:$0x0];
	s2 =	stileid.u32  }
0xbe: {  	s1 =	rddreg [dreg:$0x1];
	p0 =	sne.s32 s2, $0x0  }
0xbf: {  	s3 =	rddreg [dreg:$0x2];
	[bflag:$0x3] =	sbarrier.arrive $0xFFFF;
	s2 =	simm.s32 @!p0 $0x1C05  }
0xc0: {  	[timem:s3], [sflag:s2] =	dma.local @!p0 [hbm:s0], s1  }
0xc1: {  	s0 =	simm.s32 @!p0 $0x5  }
0xc2: {  	_ =	swait.ge @!p0 [sflag:s0], s1  }
0xc3: {  	s1 =	ssub.s32 @!p0 $0x0, s1;
	[sflag:s0] =	ssyncset.done @!p0 $0x0  }
0xc4: {  	[sflag:s0] =	ssyncadd.s32 @!p0 s1  }
0xc5: {  	[bflag:$0x3] =	sbarrier.arrive $0xFFFF  }
0xc6: {  	_ =	shalt  }

</sc_bundles>
